<compile_context>
chip_gen: v7x
topology: tpu7x:2x2x1
jax: 0.10.2.dev20260603
libtpu: 0.0.44.dev20260713+nightly
codegen_flags: <defaults>
</compile_context>

<pallas_src>
import functools

import jax
import jax.numpy as jnp
import numpy as np
from jax import lax
from jax.experimental import pallas as pl
from jax.experimental.pallas import tpu as pltpu
from jax.experimental.pallas import tpu_sc as plsc

B, C, X, Y, S = 8, 1024, 256, 128, 4
CB = 1024
NPAD = 512
NEG_INF = np.float32(-np.inf)
TINY = np.float32(np.finfo(np.float32).tiny)

_K0 = np.uint32(0)
_K1 = np.uint32(42)
_KS2 = np.uint32(int(_K0) ^ int(_K1) ^ 0x1BD11BDA)
_ROT_A = (13, 15, 26, 6)
_ROT_B = (17, 29, 16, 24)


def _rotl(x, d):
    return lax.shift_left(x, np.uint32(d)) | lax.shift_right_logical(
        x, np.uint32(32 - d))


def _threefry_rounds(x1):
    ks = (_K0, _K1, _KS2)
    x1 = x1 + ks[1]
    x0 = x1
    x1 = _rotl(x1, _ROT_A[0]) ^ x0
    for r in _ROT_A[1:]:
        x0 = x0 + x1
        x1 = _rotl(x1, r) ^ x0
    x0 = x0 + ks[1]
    x1 = x1 + np.uint32(int(_KS2) + 1)
    for group, (rots, ka, kb) in enumerate((
            (_ROT_B, ks[2], ks[0]),
            (_ROT_A, ks[0], ks[1]),
            (_ROT_B, ks[1], ks[2]),
            (_ROT_A, ks[2], ks[0])), start=2):
        for r in rots:
            x0 = x0 + x1
            x1 = _rotl(x1, r) ^ x0
        x0 = x0 + ka
        x1 = x1 + np.uint32((int(kb) + group) & 0xFFFFFFFF)
    return x0 ^ x1


_R = CB * S
_JB = 128


_NJB = C // _JB


def _index_kernel(jlist_ref, u_ref, mask_c_ref, gidx_ref, bv_scr, bi_scr,
                  rt_scr):
    b = pl.program_id(0)
    blk = pl.program_id(1)
    u_cnt = u_ref[b, 0]

    @pl.when(blk == 0)
    def _init():
        bv_scr[...] = jnp.full((_R, 1), NEG_INF, jnp.float32)
        bi_scr[...] = jnp.zeros((_R, 1), jnp.int32)

    @pl.when((b == 0) & (blk == 0))
    def _init_rows():
        r_io = lax.broadcasted_iota(jnp.uint32, (_R, _JB), 0)
        rt_scr[...] = r_io * np.uint32(C)

    def _block_body(mask_tail):
        base = b.astype(jnp.uint32) * np.uint32(C * S * C)
        jrow = jlist_ref[0, blk, :]
        ctr = rt_scr[...] + (jrow.astype(jnp.uint32) + base).reshape(1, _JB)
        bits = _threefry_rounds(ctr)

        fb = lax.shift_right_logical(bits, np.uint32(9)) | np.uint32(0x3F800000)
        u = lax.bitcast_convert_type(fb, jnp.float32) - np.float32(1.0)
        u = jnp.maximum(u, TINY)
        g = -jnp.log(-jnp.log(u))

        if mask_tail:
            la_io = lax.broadcasted_iota(jnp.int32, (_R, _JB), 1)
            valid = la_io < (u_cnt - blk * np.int32(_JB))
            vals = jnp.where(valid, g, NEG_INF)
        else:
            vals = g

        m = jnp.max(vals, axis=-1, keepdims=True)
        jmat = jnp.broadcast_to(jrow.reshape(1, _JB), (_R, _JB))
        bidx = jnp.min(jnp.where(vals == m, jmat, jnp.int32(C)), axis=-1,
                       keepdims=True)
        bv = bv_scr[...]
        better = m > bv
        bv_scr[...] = jnp.where(better, m, bv)
        bi_scr[...] = jnp.where(better, bidx, bi_scr[...])

    blk_end = (blk + np.int32(1)) * np.int32(_JB)

    @pl.when(blk_end <= u_cnt)
    def _compute_full():
        _block_body(mask_tail=False)

    @pl.when((blk * np.int32(_JB) < u_cnt) & (u_cnt < blk_end))
    def _compute_partial():
        _block_body(mask_tail=True)

    @pl.when(blk == np.int32(_NJB - 1))
    def _emit():
        idx = bi_scr[...].reshape(CB, S)
        mask_c = mask_c_ref[0, 0, :].reshape(CB, 1)
        s_io2 = lax.broadcasted_iota(jnp.int32, (CB, S), 1)
        c_io2 = lax.broadcasted_iota(jnp.int32, (CB, S), 0)
        spread = (c_io2 * np.int32(S) + s_io2) % np.int32(NPAD)
        gidx_ref[0] = jnp.where(mask_c > 0, b * np.int32(C) + idx,
                                np.int32(B * C) + spread)


def _compute_gather_indices(mask_ctx):
    mask3 = mask_ctx.reshape(B, 1, C)
    j_iota = jnp.arange(C, dtype=jnp.int32)[None, :]
    sort_key = jnp.where(mask_ctx > 0, j_iota, j_iota + np.int32(C))
    jlist = jnp.argsort(sort_key, axis=1).astype(jnp.int32).reshape(B, _NJB, _JB)
    u_cnt = jnp.sum(mask_ctx, axis=1, dtype=jnp.int32).reshape(B, 1)

    gidx_cs = pl.pallas_call(
        _index_kernel,
        grid=(B, _NJB),
        in_specs=[
            pl.BlockSpec((1, _NJB, _JB), lambda b, blk: (b, 0, 0)),
            pl.BlockSpec(memory_space=pltpu.SMEM, block_shape=(B, 1),
                         index_map=lambda b, blk: (0, 0)),
            pl.BlockSpec((1, 1, C), lambda b, blk: (b, 0, 0)),
        ],
        out_specs=pl.BlockSpec((1, CB, S), lambda b, blk: (b, 0, 0)),
        out_shape=jax.ShapeDtypeStruct((B, C, S), jnp.int32),
        scratch_shapes=[
            pltpu.VMEM((_R, 1), jnp.float32),
            pltpu.VMEM((_R, 1), jnp.int32),
            pltpu.VMEM((_R, _JB), jnp.uint32),
        ],
    )(jlist, u_cnt, mask3)
    return jnp.transpose(gidx_cs, (0, 2, 1))


_NW = 32
_ROWS = B * S * C
_RPW = _ROWS // _NW
_CHUNK = 256


def _sc_gather(x_tab, y_tab, gidx_flat):
    mesh = plsc.VectorSubcoreMesh(core_axis_name="c", subcore_axis_name="s")

    @functools.partial(
        pl.kernel,
        out_type=(
            jax.ShapeDtypeStruct((_ROWS, X), jnp.float32),
            jax.ShapeDtypeStruct((_ROWS, Y), jnp.float32),
        ),
        mesh=mesh,
        scratch_types=[
            pltpu.VMEM((_CHUNK,), jnp.int32),
            pltpu.VMEM((_CHUNK, X), jnp.float32),
            pltpu.VMEM((_CHUNK, Y), jnp.float32),
            pltpu.SemaphoreType.DMA,
            pltpu.SemaphoreType.DMA,
        ],
    )
    def gather_kernel(x_hbm, y_hbm, idx_hbm, ox_hbm, oy_hbm,
                      idx_v, xrows_v, yrows_v, semx, semy):
        wid = lax.axis_index("s") * 2 + lax.axis_index("c")
        base = wid * _RPW
        for k in range(_RPW // _CHUNK):
            off = base + k * _CHUNK
            pltpu.sync_copy(idx_hbm.at[pl.ds(off, _CHUNK)], idx_v)
            cx = pltpu.async_copy(x_hbm.at[idx_v], xrows_v, semx)
            cy = pltpu.async_copy(y_hbm.at[idx_v], yrows_v, semy)
            cx.wait()
            pltpu.sync_copy(xrows_v, ox_hbm.at[pl.ds(off, _CHUNK)])
            cy.wait()
            pltpu.sync_copy(yrows_v, oy_hbm.at[pl.ds(off, _CHUNK)])

    return gather_kernel(x_tab, y_tab, gidx_flat)


def kernel(x_ctx, y_ctx, mask_ctx, num_samples):
    del num_samples
    gidx = _compute_gather_indices(mask_ctx)

    x_tab = jnp.concatenate(
        [x_ctx.reshape(B * C, X), jnp.zeros((NPAD, X), jnp.float32)])
    y_tab = jnp.concatenate(
        [y_ctx.reshape(B * C, Y), jnp.zeros((NPAD, Y), jnp.float32)])

    out_x, out_y = _sc_gather(x_tab, y_tab, gidx.reshape(_ROWS))
    return (out_x.reshape(B, S, C, X), out_y.reshape(B, S, C, Y))

# --- scband reference (transcript-rebuilt; emitter-appended) ---
"""Pipeline reference for scband-bnpmixin-10101763080647 (READ-ONLY COPY).

The authoritative reference and input builder live on the scoring server;
editing this copy changes nothing except your own understanding.
"""

import jax, jax.numpy as jnp
import numpy as np


def _bootstrap_sample(key, x_ctx, y_ctx, mask_f, num_samples):
    # Faithful translation of BNPMixin's `sample` / `random_choice` path:
    # random.choice(key, arange(C), shape=(C, S), p=mask_row, replace=True),
    # vmapped over batch, equals iid categorical sampling with logits=log(p).
    B, C, _ = x_ctx.shape
    S = 4
    logits = jnp.where(mask_f > 0, jnp.log(jnp.maximum(mask_f, 1e-12)), -jnp.inf)
    # sampled_idx: [B, C, S] index draws over the context axis
    sampled_idx = jax.random.categorical(key, logits[:, None, None, :], shape=(B, C, S))
    sampled_idx = sampled_idx + num_samples * 0
    # swap to [B, S, C] then add trailing gather axis -> [B, S, C, 1]
    sampled_idx = jnp.expand_dims(jnp.swapaxes(sampled_idx, -1, -2), axis=-1)
    outs = []
    for item in (x_ctx, y_ctx):
        item_e = jnp.expand_dims(item, axis=-3)  # [B, 1, C, D] (new_axis=True branch)
        s = jnp.take_along_axis(item_e, sampled_idx, axis=-2)  # [B, S, C, D]
        # F.masked_fill(..., mask, mask_axis=(0, -2)) -> zero out masked context slots
        s = s * mask_f[:, None, :, None]
        outs.append(s)
    return tuple(outs)


def setup_inputs(seed: int = 0) -> dict:
    key = jax.random.key(seed)
    k1, k2, k3 = jax.random.split(key, 3)
    B, C, X, Y = 8, 1024, 256, 128
    x_ctx = jax.random.normal(k1, (B, C, X), dtype=jnp.float32)
    y_ctx = jax.random.normal(k2, (B, C, Y), dtype=jnp.float32)
    mask_ctx = jax.random.randint(k3, (B, C), 0, 2, dtype=jnp.int32)
    return {"x_ctx": x_ctx, "y_ctx": y_ctx, "mask_ctx": mask_ctx, "num_samples": 4}


def reference(x_ctx, y_ctx, mask_ctx, num_samples):
    key = jax.random.key(42)
    mask_f = mask_ctx.astype(jnp.float32)
    b_x_ctx, b_y_ctx = _bootstrap_sample(key, x_ctx, y_ctx, mask_f, num_samples)
    return (b_x_ctx, b_y_ctx)

if __name__ == "__main__":
    import jax
    _d = setup_inputs()
    print(jax.jit(kernel)(*tuple(_d.values())))

</pallas_src>

<mosaic_0001>
#map = affine_map<(d0, d1) -> (0, 0)>
#map1 = affine_map<(d0, d1) -> (0)>
module attributes {stable_mosaic.version = 14 : i64} {
  func.func @gather_kernel(%arg0: i32, %arg1: i32, %arg2: memref<8704x256xf32, #tpu.memory_space<hbm>>, %arg3: memref<8704x128xf32, #tpu.memory_space<hbm>>, %arg4: memref<32768xi32, #tpu.memory_space<hbm>>, %arg5: memref<32768x256xf32, #tpu.memory_space<hbm>>, %arg6: memref<32768x128xf32, #tpu.memory_space<hbm>>, %arg7: memref<256xi32, #tpu.memory_space<vmem>>, %arg8: memref<256x256xf32, #tpu.memory_space<vmem>>, %arg9: memref<256x128xf32, #tpu.memory_space<vmem>>, %arg10: memref<!tpu.dma_semaphore, #tpu.memory_space<semaphore_mem>>, %arg11: memref<!tpu.dma_semaphore, #tpu.memory_space<semaphore_mem>>) attributes {dimension_semantics = [#tpu.dimension_semantics<core_parallel>, #tpu.dimension_semantics<subcore_parallel>], iteration_bounds = array<i64: 2, 16>, scalar_prefetch = 0 : i64, scratch_operands = 5 : i64, tpu.core_type = #tpu.core_type<sc_vector_subcore>, window_params = [{transform_indices = #map}, {transform_indices = #map}, {transform_indices = #map1}, {transform_indices = #map}, {transform_indices = #map}]} {
    %mul3A = arith.constant 2 : i32
    %mul3A_0 = arith.muli %arg1, %mul3A : i32
    %add3A = arith.addi %mul3A_0, %arg0 : i32
    %mul3A_1 = arith.constant 1024 : i32
    %mul3A_2 = arith.muli %add3A, %mul3A_1 : i32
    %add3A_3 = arith.constant 0 : i32
    %add3A_4 = arith.addi %mul3A_2, %add3A_3 : i32
    "tpu.region"() ({
      %run_scoped3A = tpu.sem_alloc : memref<!tpu.dma_semaphore, #tpu.memory_space<semaphore_mem>>
      %dma_start3A_57 = tpu.memref_slice %arg4[%add3A_4] : memref<32768xi32, #tpu.memory_space<hbm>> -> memref<256xi32, #tpu.memory_space<hbm>>
      %dma_start3A_58 = tpu.memref_slice %arg4[%add3A_4] : memref<32768xi32, #tpu.memory_space<hbm>> -> memref<256xi32, #tpu.memory_space<hbm>>
      tpu.enqueue_dma source(%dma_start3A_58 : memref<256xi32, #tpu.memory_space<hbm>>) target(%arg7 : memref<256xi32, #tpu.memory_space<vmem>>) target_semaphore(%run_scoped3A : memref<!tpu.dma_semaphore, #tpu.memory_space<semaphore_mem>>)
      %dma_wait3A_59 = tpu.memref_slice %arg4[%add3A_4] : memref<32768xi32, #tpu.memory_space<hbm>> -> memref<256xi32, #tpu.memory_space<hbm>>
      %dma_wait3A_60 = tpu.memref_slice %arg4[%add3A_4] : memref<32768xi32, #tpu.memory_space<hbm>> -> memref<256xi32, #tpu.memory_space<hbm>>
      tpu.wait_dma2 semaphore(%run_scoped3A : memref<!tpu.dma_semaphore, #tpu.memory_space<semaphore_mem>>) src(%dma_wait3A_60 : memref<256xi32, #tpu.memory_space<hbm>>) dst(%arg7 : memref<256xi32, #tpu.memory_space<vmem>>)
      tpu.yield
    }) : () -> ()
    %dma_start3A = arith.constant 0 : i32
    %dma_start3A_5 = arith.constant 0 : i32
    %dma_start3A_6 = tpu.memref_slice %arg2[%dma_start3A, %dma_start3A_5] : memref<8704x256xf32, #tpu.memory_space<hbm>> -> memref<8704x256xf32, #tpu.memory_space<hbm>>
    tpu.enqueue_indirect_dma source(%dma_start3A_6 : memref<8704x256xf32, #tpu.memory_space<hbm>>) target(%arg8 : memref<256x256xf32, #tpu.memory_space<vmem>>) offsets(%arg7 : memref<256xi32, #tpu.memory_space<vmem>>) semaphore(%arg10 : memref<!tpu.dma_semaphore, #tpu.memory_space<semaphore_mem>>)
    %dma_start3A_7 = arith.constant 0 : i32
    %dma_start3A_8 = arith.constant 0 : i32
    %dma_start3A_9 = tpu.memref_slice %arg3[%dma_start3A_7, %dma_start3A_8] : memref<8704x128xf32, #tpu.memory_space<hbm>> -> memref<8704x128xf32, #tpu.memory_space<hbm>>
    tpu.enqueue_indirect_dma source(%dma_start3A_9 : memref<8704x128xf32, #tpu.memory_space<hbm>>) target(%arg9 : memref<256x128xf32, #tpu.memory_space<vmem>>) offsets(%arg7 : memref<256xi32, #tpu.memory_space<vmem>>) semaphore(%arg11 : memref<!tpu.dma_semaphore, #tpu.memory_space<semaphore_mem>>)
    %dma_wait3A = arith.constant 0 : i32
    %dma_wait3A_10 = arith.constant 0 : i32
    %dma_wait3A_11 = tpu.memref_slice %arg2[%dma_wait3A, %dma_wait3A_10] : memref<8704x256xf32, #tpu.memory_space<hbm>> -> memref<8704x256xf32, #tpu.memory_space<hbm>>
    tpu.wait_indirect_dma semaphore(%arg10 : memref<!tpu.dma_semaphore, #tpu.memory_space<semaphore_mem>>) src(%dma_wait3A_11 : memref<8704x256xf32, #tpu.memory_space<hbm>>) dst(%arg8 : memref<256x256xf32, #tpu.memory_space<vmem>>)
    "tpu.region"() ({
      %run_scoped3A = tpu.sem_alloc : memref<!tpu.dma_semaphore, #tpu.memory_space<semaphore_mem>>
      %dma_start3A_57 = arith.constant 0 : i32
      %dma_start3A_58 = tpu.memref_slice %arg5[%add3A_4, %dma_start3A_57] : memref<32768x256xf32, #tpu.memory_space<hbm>> -> memref<256x256xf32, #tpu.memory_space<hbm>>
      %dma_start3A_59 = arith.constant 0 : i32
      %dma_start3A_60 = tpu.memref_slice %arg5[%add3A_4, %dma_start3A_59] : memref<32768x256xf32, #tpu.memory_space<hbm>> -> memref<256x256xf32, #tpu.memory_space<hbm>>
      tpu.enqueue_dma source(%arg8 : memref<256x256xf32, #tpu.memory_space<vmem>>) target(%dma_start3A_60 : memref<256x256xf32, #tpu.memory_space<hbm>>) target_semaphore(%run_scoped3A : memref<!tpu.dma_semaphore, #tpu.memory_space<semaphore_mem>>)
      %dma_wait3A_61 = arith.constant 0 : i32
      %dma_wait3A_62 = tpu.memref_slice %arg5[%add3A_4, %dma_wait3A_61] : memref<32768x256xf32, #tpu.memory_space<hbm>> -> memref<256x256xf32, #tpu.memory_space<hbm>>
      %dma_wait3A_63 = arith.constant 0 : i32
      %dma_wait3A_64 = tpu.memref_slice %arg5[%add3A_4, %dma_wait3A_63] : memref<32768x256xf32, #tpu.memory_space<hbm>> -> memref<256x256xf32, #tpu.memory_space<hbm>>
      tpu.wait_dma2 semaphore(%run_scoped3A : memref<!tpu.dma_semaphore, #tpu.memory_space<semaphore_mem>>) src(%arg8 : memref<256x256xf32, #tpu.memory_space<vmem>>) dst(%dma_wait3A_64 : memref<256x256xf32, #tpu.memory_space<hbm>>)
      tpu.yield
    }) : () -> ()
    %dma_wait3A_12 = arith.constant 0 : i32
    %dma_wait3A_13 = arith.constant 0 : i32
    %dma_wait3A_14 = tpu.memref_slice %arg3[%dma_wait3A_12, %dma_wait3A_13] : memref<8704x128xf32, #tpu.memory_space<hbm>> -> memref<8704x128xf32, #tpu.memory_space<hbm>>
    tpu.wait_indirect_dma semaphore(%arg11 : memref<!tpu.dma_semaphore, #tpu.memory_space<semaphore_mem>>) src(%dma_wait3A_14 : memref<8704x128xf32, #tpu.memory_space<hbm>>) dst(%arg9 : memref<256x128xf32, #tpu.memory_space<vmem>>)
    "tpu.region"() ({
      %run_scoped3A = tpu.sem_alloc : memref<!tpu.dma_semaphore, #tpu.memory_space<semaphore_mem>>
      %dma_start3A_57 = arith.constant 0 : i32
      %dma_start3A_58 = tpu.memref_slice %arg6[%add3A_4, %dma_start3A_57] : memref<32768x128xf32, #tpu.memory_space<hbm>> -> memref<256x128xf32, #tpu.memory_space<hbm>>
      %dma_start3A_59 = arith.constant 0 : i32
      %dma_start3A_60 = tpu.memref_slice %arg6[%add3A_4, %dma_start3A_59] : memref<32768x128xf32, #tpu.memory_space<hbm>> -> memref<256x128xf32, #tpu.memory_space<hbm>>
      tpu.enqueue_dma source(%arg9 : memref<256x128xf32, #tpu.memory_space<vmem>>) target(%dma_start3A_60 : memref<256x128xf32, #tpu.memory_space<hbm>>) target_semaphore(%run_scoped3A : memref<!tpu.dma_semaphore, #tpu.memory_space<semaphore_mem>>)
      %dma_wait3A_61 = arith.constant 0 : i32
      %dma_wait3A_62 = tpu.memref_slice %arg6[%add3A_4, %dma_wait3A_61] : memref<32768x128xf32, #tpu.memory_space<hbm>> -> memref<256x128xf32, #tpu.memory_space<hbm>>
      %dma_wait3A_63 = arith.constant 0 : i32
      %dma_wait3A_64 = tpu.memref_slice %arg6[%add3A_4, %dma_wait3A_63] : memref<32768x128xf32, #tpu.memory_space<hbm>> -> memref<256x128xf32, #tpu.memory_space<hbm>>
      tpu.wait_dma2 semaphore(%run_scoped3A : memref<!tpu.dma_semaphore, #tpu.memory_space<semaphore_mem>>) src(%arg9 : memref<256x128xf32, #tpu.memory_space<vmem>>) dst(%dma_wait3A_64 : memref<256x128xf32, #tpu.memory_space<hbm>>)
      tpu.yield
    }) : () -> ()
    %add3A_15 = arith.constant 256 : i32
    %add3A_16 = arith.addi %mul3A_2, %add3A_15 : i32
    "tpu.region"() ({
      %run_scoped3A = tpu.sem_alloc : memref<!tpu.dma_semaphore, #tpu.memory_space<semaphore_mem>>
      %dma_start3A_57 = tpu.memref_slice %arg4[%add3A_16] : memref<32768xi32, #tpu.memory_space<hbm>> -> memref<256xi32, #tpu.memory_space<hbm>>
      %dma_start3A_58 = tpu.memref_slice %arg4[%add3A_16] : memref<32768xi32, #tpu.memory_space<hbm>> -> memref<256xi32, #tpu.memory_space<hbm>>
      tpu.enqueue_dma source(%dma_start3A_58 : memref<256xi32, #tpu.memory_space<hbm>>) target(%arg7 : memref<256xi32, #tpu.memory_space<vmem>>) target_semaphore(%run_scoped3A : memref<!tpu.dma_semaphore, #tpu.memory_space<semaphore_mem>>)
      %dma_wait3A_59 = tpu.memref_slice %arg4[%add3A_16] : memref<32768xi32, #tpu.memory_space<hbm>> -> memref<256xi32, #tpu.memory_space<hbm>>
      %dma_wait3A_60 = tpu.memref_slice %arg4[%add3A_16] : memref<32768xi32, #tpu.memory_space<hbm>> -> memref<256xi32, #tpu.memory_space<hbm>>
      tpu.wait_dma2 semaphore(%run_scoped3A : memref<!tpu.dma_semaphore, #tpu.memory_space<semaphore_mem>>) src(%dma_wait3A_60 : memref<256xi32, #tpu.memory_space<hbm>>) dst(%arg7 : memref<256xi32, #tpu.memory_space<vmem>>)
      tpu.yield
    }) : () -> ()
    %dma_start3A_17 = arith.constant 0 : i32
    %dma_start3A_18 = arith.constant 0 : i32
    %dma_start3A_19 = tpu.memref_slice %arg2[%dma_start3A_17, %dma_start3A_18] : memref<8704x256xf32, #tpu.memory_space<hbm>> -> memref<8704x256xf32, #tpu.memory_space<hbm>>
    tpu.enqueue_indirect_dma source(%dma_start3A_19 : memref<8704x256xf32, #tpu.memory_space<hbm>>) target(%arg8 : memref<256x256xf32, #tpu.memory_space<vmem>>) offsets(%arg7 : memref<256xi32, #tpu.memory_space<vmem>>) semaphore(%arg10 : memref<!tpu.dma_semaphore, #tpu.memory_space<semaphore_mem>>)
    %dma_start3A_20 = arith.constant 0 : i32
    %dma_start3A_21 = arith.constant 0 : i32
    %dma_start3A_22 = tpu.memref_slice %arg3[%dma_start3A_20, %dma_start3A_21] : memref<8704x128xf32, #tpu.memory_space<hbm>> -> memref<8704x128xf32, #tpu.memory_space<hbm>>
    tpu.enqueue_indirect_dma source(%dma_start3A_22 : memref<8704x128xf32, #tpu.memory_space<hbm>>) target(%arg9 : memref<256x128xf32, #tpu.memory_space<vmem>>) offsets(%arg7 : memref<256xi32, #tpu.memory_space<vmem>>) semaphore(%arg11 : memref<!tpu.dma_semaphore, #tpu.memory_space<semaphore_mem>>)
    %dma_wait3A_23 = arith.constant 0 : i32
    %dma_wait3A_24 = arith.constant 0 : i32
    %dma_wait3A_25 = tpu.memref_slice %arg2[%dma_wait3A_23, %dma_wait3A_24] : memref<8704x256xf32, #tpu.memory_space<hbm>> -> memref<8704x256xf32, #tpu.memory_space<hbm>>
    tpu.wait_indirect_dma semaphore(%arg10 : memref<!tpu.dma_semaphore, #tpu.memory_space<semaphore_mem>>) src(%dma_wait3A_25 : memref<8704x256xf32, #tpu.memory_space<hbm>>) dst(%arg8 : memref<256x256xf32, #tpu.memory_space<vmem>>)
    "tpu.region"() ({
      %run_scoped3A = tpu.sem_alloc : memref<!tpu.dma_semaphore, #tpu.memory_space<semaphore_mem>>
      %dma_start3A_57 = arith.constant 0 : i32
      %dma_start3A_58 = tpu.memref_slice %arg5[%add3A_16, %dma_start3A_57] : memref<32768x256xf32, #tpu.memory_space<hbm>> -> memref<256x256xf32, #tpu.memory_space<hbm>>
      %dma_start3A_59 = arith.constant 0 : i32
      %dma_start3A_60 = tpu.memref_slice %arg5[%add3A_16, %dma_start3A_59] : memref<32768x256xf32, #tpu.memory_space<hbm>> -> memref<256x256xf32, #tpu.memory_space<hbm>>
      tpu.enqueue_dma source(%arg8 : memref<256x256xf32, #tpu.memory_space<vmem>>) target(%dma_start3A_60 : memref<256x256xf32, #tpu.memory_space<hbm>>) target_semaphore(%run_scoped3A : memref<!tpu.dma_semaphore, #tpu.memory_space<semaphore_mem>>)
      %dma_wait3A_61 = arith.constant 0 : i32
      %dma_wait3A_62 = tpu.memref_slice %arg5[%add3A_16, %dma_wait3A_61] : memref<32768x256xf32, #tpu.memory_space<hbm>> -> memref<256x256xf32, #tpu.memory_space<hbm>>
      %dma_wait3A_63 = arith.constant 0 : i32
      %dma_wait3A_64 = tpu.memref_slice %arg5[%add3A_16, %dma_wait3A_63] : memref<32768x256xf32, #tpu.memory_space<hbm>> -> memref<256x256xf32, #tpu.memory_space<hbm>>
      tpu.wait_dma2 semaphore(%run_scoped3A : memref<!tpu.dma_semaphore, #tpu.memory_space<semaphore_mem>>) src(%arg8 : memref<256x256xf32, #tpu.memory_space<vmem>>) dst(%dma_wait3A_64 : memref<256x256xf32, #tpu.memory_space<hbm>>)
      tpu.yield
    }) : () -> ()
    %dma_wait3A_26 = arith.constant 0 : i32
    %dma_wait3A_27 = arith.constant 0 : i32
    %dma_wait3A_28 = tpu.memref_slice %arg3[%dma_wait3A_26, %dma_wait3A_27] : memref<8704x128xf32, #tpu.memory_space<hbm>> -> memref<8704x128xf32, #tpu.memory_space<hbm>>
    tpu.wait_indirect_dma semaphore(%arg11 : memref<!tpu.dma_semaphore, #tpu.memory_space<semaphore_mem>>) src(%dma_wait3A_28 : memref<8704x128xf32, #tpu.memory_space<hbm>>) dst(%arg9 : memref<256x128xf32, #tpu.memory_space<vmem>>)
    "tpu.region"() ({
      %run_scoped3A = tpu.sem_alloc : memref<!tpu.dma_semaphore, #tpu.memory_space<semaphore_mem>>
      %dma_start3A_57 = arith.constant 0 : i32
      %dma_start3A_58 = tpu.memref_slice %arg6[%add3A_16, %dma_start3A_57] : memref<32768x128xf32, #tpu.memory_space<hbm>> -> memref<256x128xf32, #tpu.memory_space<hbm>>
      %dma_start3A_59 = arith.constant 0 : i32
      %dma_start3A_60 = tpu.memref_slice %arg6[%add3A_16, %dma_start3A_59] : memref<32768x128xf32, #tpu.memory_space<hbm>> -> memref<256x128xf32, #tpu.memory_space<hbm>>
      tpu.enqueue_dma source(%arg9 : memref<256x128xf32, #tpu.memory_space<vmem>>) target(%dma_start3A_60 : memref<256x128xf32, #tpu.memory_space<hbm>>) target_semaphore(%run_scoped3A : memref<!tpu.dma_semaphore, #tpu.memory_space<semaphore_mem>>)
      %dma_wait3A_61 = arith.constant 0 : i32
      %dma_wait3A_62 = tpu.memref_slice %arg6[%add3A_16, %dma_wait3A_61] : memref<32768x128xf32, #tpu.memory_space<hbm>> -> memref<256x128xf32, #tpu.memory_space<hbm>>
      %dma_wait3A_63 = arith.constant 0 : i32
      %dma_wait3A_64 = tpu.memref_slice %arg6[%add3A_16, %dma_wait3A_63] : memref<32768x128xf32, #tpu.memory_space<hbm>> -> memref<256x128xf32, #tpu.memory_space<hbm>>
      tpu.wait_dma2 semaphore(%run_scoped3A : memref<!tpu.dma_semaphore, #tpu.memory_space<semaphore_mem>>) src(%arg9 : memref<256x128xf32, #tpu.memory_space<vmem>>) dst(%dma_wait3A_64 : memref<256x128xf32, #tpu.memory_space<hbm>>)
      tpu.yield
    }) : () -> ()
    %add3A_29 = arith.constant 512 : i32
    %add3A_30 = arith.addi %mul3A_2, %add3A_29 : i32
    "tpu.region"() ({
      %run_scoped3A = tpu.sem_alloc : memref<!tpu.dma_semaphore, #tpu.memory_space<semaphore_mem>>
      %dma_start3A_57 = tpu.memref_slice %arg4[%add3A_30] : memref<32768xi32, #tpu.memory_space<hbm>> -> memref<256xi32, #tpu.memory_space<hbm>>
      %dma_start3A_58 = tpu.memref_slice %arg4[%add3A_30] : memref<32768xi32, #tpu.memory_space<hbm>> -> memref<256xi32, #tpu.memory_space<hbm>>
      tpu.enqueue_dma source(%dma_start3A_58 : memref<256xi32, #tpu.memory_space<hbm>>) target(%arg7 : memref<256xi32, #tpu.memory_space<vmem>>) target_semaphore(%run_scoped3A : memref<!tpu.dma_semaphore, #tpu.memory_space<semaphore_mem>>)
      %dma_wait3A_59 = tpu.memref_slice %arg4[%add3A_30] : memref<32768xi32, #tpu.memory_space<hbm>> -> memref<256xi32, #tpu.memory_space<hbm>>
      %dma_wait3A_60 = tpu.memref_slice %arg4[%add3A_30] : memref<32768xi32, #tpu.memory_space<hbm>> -> memref<256xi32, #tpu.memory_space<hbm>>
      tpu.wait_dma2 semaphore(%run_scoped3A : memref<!tpu.dma_semaphore, #tpu.memory_space<semaphore_mem>>) src(%dma_wait3A_60 : memref<256xi32, #tpu.memory_space<hbm>>) dst(%arg7 : memref<256xi32, #tpu.memory_space<vmem>>)
      tpu.yield
    }) : () -> ()
    %dma_start3A_31 = arith.constant 0 : i32
    %dma_start3A_32 = arith.constant 0 : i32
    %dma_start3A_33 = tpu.memref_slice %arg2[%dma_start3A_31, %dma_start3A_32] : memref<8704x256xf32, #tpu.memory_space<hbm>> -> memref<8704x256xf32, #tpu.memory_space<hbm>>
    tpu.enqueue_indirect_dma source(%dma_start3A_33 : memref<8704x256xf32, #tpu.memory_space<hbm>>) target(%arg8 : memref<256x256xf32, #tpu.memory_space<vmem>>) offsets(%arg7 : memref<256xi32, #tpu.memory_space<vmem>>) semaphore(%arg10 : memref<!tpu.dma_semaphore, #tpu.memory_space<semaphore_mem>>)
    %dma_start3A_34 = arith.constant 0 : i32
    %dma_start3A_35 = arith.constant 0 : i32
    %dma_start3A_36 = tpu.memref_slice %arg3[%dma_start3A_34, %dma_start3A_35] : memref<8704x128xf32, #tpu.memory_space<hbm>> -> memref<8704x128xf32, #tpu.memory_space<hbm>>
    tpu.enqueue_indirect_dma source(%dma_start3A_36 : memref<8704x128xf32, #tpu.memory_space<hbm>>) target(%arg9 : memref<256x128xf32, #tpu.memory_space<vmem>>) offsets(%arg7 : memref<256xi32, #tpu.memory_space<vmem>>) semaphore(%arg11 : memref<!tpu.dma_semaphore, #tpu.memory_space<semaphore_mem>>)
    %dma_wait3A_37 = arith.constant 0 : i32
    %dma_wait3A_38 = arith.constant 0 : i32
    %dma_wait3A_39 = tpu.memref_slice %arg2[%dma_wait3A_37, %dma_wait3A_38] : memref<8704x256xf32, #tpu.memory_space<hbm>> -> memref<8704x256xf32, #tpu.memory_space<hbm>>
    tpu.wait_indirect_dma semaphore(%arg10 : memref<!tpu.dma_semaphore, #tpu.memory_space<semaphore_mem>>) src(%dma_wait3A_39 : memref<8704x256xf32, #tpu.memory_space<hbm>>) dst(%arg8 : memref<256x256xf32, #tpu.memory_space<vmem>>)
    "tpu.region"() ({
      %run_scoped3A = tpu.sem_alloc : memref<!tpu.dma_semaphore, #tpu.memory_space<semaphore_mem>>
      %dma_start3A_57 = arith.constant 0 : i32
      %dma_start3A_58 = tpu.memref_slice %arg5[%add3A_30, %dma_start3A_57] : memref<32768x256xf32, #tpu.memory_space<hbm>> -> memref<256x256xf32, #tpu.memory_space<hbm>>
      %dma_start3A_59 = arith.constant 0 : i32
      %dma_start3A_60 = tpu.memref_slice %arg5[%add3A_30, %dma_start3A_59] : memref<32768x256xf32, #tpu.memory_space<hbm>> -> memref<256x256xf32, #tpu.memory_space<hbm>>
      tpu.enqueue_dma source(%arg8 : memref<256x256xf32, #tpu.memory_space<vmem>>) target(%dma_start3A_60 : memref<256x256xf32, #tpu.memory_space<hbm>>) target_semaphore(%run_scoped3A : memref<!tpu.dma_semaphore, #tpu.memory_space<semaphore_mem>>)
      %dma_wait3A_61 = arith.constant 0 : i32
      %dma_wait3A_62 = tpu.memref_slice %arg5[%add3A_30, %dma_wait3A_61] : memref<32768x256xf32, #tpu.memory_space<hbm>> -> memref<256x256xf32, #tpu.memory_space<hbm>>
      %dma_wait3A_63 = arith.constant 0 : i32
      %dma_wait3A_64 = tpu.memref_slice %arg5[%add3A_30, %dma_wait3A_63] : memref<32768x256xf32, #tpu.memory_space<hbm>> -> memref<256x256xf32, #tpu.memory_space<hbm>>
      tpu.wait_dma2 semaphore(%run_scoped3A : memref<!tpu.dma_semaphore, #tpu.memory_space<semaphore_mem>>) src(%arg8 : memref<256x256xf32, #tpu.memory_space<vmem>>) dst(%dma_wait3A_64 : memref<256x256xf32, #tpu.memory_space<hbm>>)
      tpu.yield
    }) : () -> ()
    %dma_wait3A_40 = arith.constant 0 : i32
    %dma_wait3A_41 = arith.constant 0 : i32
    %dma_wait3A_42 = tpu.memref_slice %arg3[%dma_wait3A_40, %dma_wait3A_41] : memref<8704x128xf32, #tpu.memory_space<hbm>> -> memref<8704x128xf32, #tpu.memory_space<hbm>>
    tpu.wait_indirect_dma semaphore(%arg11 : memref<!tpu.dma_semaphore, #tpu.memory_space<semaphore_mem>>) src(%dma_wait3A_42 : memref<8704x128xf32, #tpu.memory_space<hbm>>) dst(%arg9 : memref<256x128xf32, #tpu.memory_space<vmem>>)
    "tpu.region"() ({
      %run_scoped3A = tpu.sem_alloc : memref<!tpu.dma_semaphore, #tpu.memory_space<semaphore_mem>>
      %dma_start3A_57 = arith.constant 0 : i32
      %dma_start3A_58 = tpu.memref_slice %arg6[%add3A_30, %dma_start3A_57] : memref<32768x128xf32, #tpu.memory_space<hbm>> -> memref<256x128xf32, #tpu.memory_space<hbm>>
      %dma_start3A_59 = arith.constant 0 : i32
      %dma_start3A_60 = tpu.memref_slice %arg6[%add3A_30, %dma_start3A_59] : memref<32768x128xf32, #tpu.memory_space<hbm>> -> memref<256x128xf32, #tpu.memory_space<hbm>>
      tpu.enqueue_dma source(%arg9 : memref<256x128xf32, #tpu.memory_space<vmem>>) target(%dma_start3A_60 : memref<256x128xf32, #tpu.memory_space<hbm>>) target_semaphore(%run_scoped3A : memref<!tpu.dma_semaphore, #tpu.memory_space<semaphore_mem>>)
      %dma_wait3A_61 = arith.constant 0 : i32
      %dma_wait3A_62 = tpu.memref_slice %arg6[%add3A_30, %dma_wait3A_61] : memref<32768x128xf32, #tpu.memory_space<hbm>> -> memref<256x128xf32, #tpu.memory_space<hbm>>
      %dma_wait3A_63 = arith.constant 0 : i32
      %dma_wait3A_64 = tpu.memref_slice %arg6[%add3A_30, %dma_wait3A_63] : memref<32768x128xf32, #tpu.memory_space<hbm>> -> memref<256x128xf32, #tpu.memory_space<hbm>>
      tpu.wait_dma2 semaphore(%run_scoped3A : memref<!tpu.dma_semaphore, #tpu.memory_space<semaphore_mem>>) src(%arg9 : memref<256x128xf32, #tpu.memory_space<vmem>>) dst(%dma_wait3A_64 : memref<256x128xf32, #tpu.memory_space<hbm>>)
      tpu.yield
    }) : () -> ()
    %add3A_43 = arith.constant 768 : i32
    %add3A_44 = arith.addi %mul3A_2, %add3A_43 : i32
    "tpu.region"() ({
      %run_scoped3A = tpu.sem_alloc : memref<!tpu.dma_semaphore, #tpu.memory_space<semaphore_mem>>
      %dma_start3A_57 = tpu.memref_slice %arg4[%add3A_44] : memref<32768xi32, #tpu.memory_space<hbm>> -> memref<256xi32, #tpu.memory_space<hbm>>
      %dma_start3A_58 = tpu.memref_slice %arg4[%add3A_44] : memref<32768xi32, #tpu.memory_space<hbm>> -> memref<256xi32, #tpu.memory_space<hbm>>
      tpu.enqueue_dma source(%dma_start3A_58 : memref<256xi32, #tpu.memory_space<hbm>>) target(%arg7 : memref<256xi32, #tpu.memory_space<vmem>>) target_semaphore(%run_scoped3A : memref<!tpu.dma_semaphore, #tpu.memory_space<semaphore_mem>>)
      %dma_wait3A_59 = tpu.memref_slice %arg4[%add3A_44] : memref<32768xi32, #tpu.memory_space<hbm>> -> memref<256xi32, #tpu.memory_space<hbm>>
      %dma_wait3A_60 = tpu.memref_slice %arg4[%add3A_44] : memref<32768xi32, #tpu.memory_space<hbm>> -> memref<256xi32, #tpu.memory_space<hbm>>
      tpu.wait_dma2 semaphore(%run_scoped3A : memref<!tpu.dma_semaphore, #tpu.memory_space<semaphore_mem>>) src(%dma_wait3A_60 : memref<256xi32, #tpu.memory_space<hbm>>) dst(%arg7 : memref<256xi32, #tpu.memory_space<vmem>>)
      tpu.yield
    }) : () -> ()
    %dma_start3A_45 = arith.constant 0 : i32
    %dma_start3A_46 = arith.constant 0 : i32
    %dma_start3A_47 = tpu.memref_slice %arg2[%dma_start3A_45, %dma_start3A_46] : memref<8704x256xf32, #tpu.memory_space<hbm>> -> memref<8704x256xf32, #tpu.memory_space<hbm>>
    tpu.enqueue_indirect_dma source(%dma_start3A_47 : memref<8704x256xf32, #tpu.memory_space<hbm>>) target(%arg8 : memref<256x256xf32, #tpu.memory_space<vmem>>) offsets(%arg7 : memref<256xi32, #tpu.memory_space<vmem>>) semaphore(%arg10 : memref<!tpu.dma_semaphore, #tpu.memory_space<semaphore_mem>>)
    %dma_start3A_48 = arith.constant 0 : i32
    %dma_start3A_49 = arith.constant 0 : i32
    %dma_start3A_50 = tpu.memref_slice %arg3[%dma_start3A_48, %dma_start3A_49] : memref<8704x128xf32, #tpu.memory_space<hbm>> -> memref<8704x128xf32, #tpu.memory_space<hbm>>
    tpu.enqueue_indirect_dma source(%dma_start3A_50 : memref<8704x128xf32, #tpu.memory_space<hbm>>) target(%arg9 : memref<256x128xf32, #tpu.memory_space<vmem>>) offsets(%arg7 : memref<256xi32, #tpu.memory_space<vmem>>) semaphore(%arg11 : memref<!tpu.dma_semaphore, #tpu.memory_space<semaphore_mem>>)
    %dma_wait3A_51 = arith.constant 0 : i32
    %dma_wait3A_52 = arith.constant 0 : i32
    %dma_wait3A_53 = tpu.memref_slice %arg2[%dma_wait3A_51, %dma_wait3A_52] : memref<8704x256xf32, #tpu.memory_space<hbm>> -> memref<8704x256xf32, #tpu.memory_space<hbm>>
    tpu.wait_indirect_dma semaphore(%arg10 : memref<!tpu.dma_semaphore, #tpu.memory_space<semaphore_mem>>) src(%dma_wait3A_53 : memref<8704x256xf32, #tpu.memory_space<hbm>>) dst(%arg8 : memref<256x256xf32, #tpu.memory_space<vmem>>)
    "tpu.region"() ({
      %run_scoped3A = tpu.sem_alloc : memref<!tpu.dma_semaphore, #tpu.memory_space<semaphore_mem>>
      %dma_start3A_57 = arith.constant 0 : i32
      %dma_start3A_58 = tpu.memref_slice %arg5[%add3A_44, %dma_start3A_57] : memref<32768x256xf32, #tpu.memory_space<hbm>> -> memref<256x256xf32, #tpu.memory_space<hbm>>
      %dma_start3A_59 = arith.constant 0 : i32
      %dma_start3A_60 = tpu.memref_slice %arg5[%add3A_44, %dma_start3A_59] : memref<32768x256xf32, #tpu.memory_space<hbm>> -> memref<256x256xf32, #tpu.memory_space<hbm>>
      tpu.enqueue_dma source(%arg8 : memref<256x256xf32, #tpu.memory_space<vmem>>) target(%dma_start3A_60 : memref<256x256xf32, #tpu.memory_space<hbm>>) target_semaphore(%run_scoped3A : memref<!tpu.dma_semaphore, #tpu.memory_space<semaphore_mem>>)
      %dma_wait3A_61 = arith.constant 0 : i32
      %dma_wait3A_62 = tpu.memref_slice %arg5[%add3A_44, %dma_wait3A_61] : memref<32768x256xf32, #tpu.memory_space<hbm>> -> memref<256x256xf32, #tpu.memory_space<hbm>>
      %dma_wait3A_63 = arith.constant 0 : i32
      %dma_wait3A_64 = tpu.memref_slice %arg5[%add3A_44, %dma_wait3A_63] : memref<32768x256xf32, #tpu.memory_space<hbm>> -> memref<256x256xf32, #tpu.memory_space<hbm>>
      tpu.wait_dma2 semaphore(%run_scoped3A : memref<!tpu.dma_semaphore, #tpu.memory_space<semaphore_mem>>) src(%arg8 : memref<256x256xf32, #tpu.memory_space<vmem>>) dst(%dma_wait3A_64 : memref<256x256xf32, #tpu.memory_space<hbm>>)
      tpu.yield
    }) : () -> ()
    %dma_wait3A_54 = arith.constant 0 : i32
    %dma_wait3A_55 = arith.constant 0 : i32
    %dma_wait3A_56 = tpu.memref_slice %arg3[%dma_wait3A_54, %dma_wait3A_55] : memref<8704x128xf32, #tpu.memory_space<hbm>> -> memref<8704x128xf32, #tpu.memory_space<hbm>>
    tpu.wait_indirect_dma semaphore(%arg11 : memref<!tpu.dma_semaphore, #tpu.memory_space<semaphore_mem>>) src(%dma_wait3A_56 : memref<8704x128xf32, #tpu.memory_space<hbm>>) dst(%arg9 : memref<256x128xf32, #tpu.memory_space<vmem>>)
    "tpu.region"() ({
      %run_scoped3A = tpu.sem_alloc : memref<!tpu.dma_semaphore, #tpu.memory_space<semaphore_mem>>
      %dma_start3A_57 = arith.constant 0 : i32
      %dma_start3A_58 = tpu.memref_slice %arg6[%add3A_44, %dma_start3A_57] : memref<32768x128xf32, #tpu.memory_space<hbm>> -> memref<256x128xf32, #tpu.memory_space<hbm>>
      %dma_start3A_59 = arith.constant 0 : i32
      %dma_start3A_60 = tpu.memref_slice %arg6[%add3A_44, %dma_start3A_59] : memref<32768x128xf32, #tpu.memory_space<hbm>> -> memref<256x128xf32, #tpu.memory_space<hbm>>
      tpu.enqueue_dma source(%arg9 : memref<256x128xf32, #tpu.memory_space<vmem>>) target(%dma_start3A_60 : memref<256x128xf32, #tpu.memory_space<hbm>>) target_semaphore(%run_scoped3A : memref<!tpu.dma_semaphore, #tpu.memory_space<semaphore_mem>>)
      %dma_wait3A_61 = arith.constant 0 : i32
      %dma_wait3A_62 = tpu.memref_slice %arg6[%add3A_44, %dma_wait3A_61] : memref<32768x128xf32, #tpu.memory_space<hbm>> -> memref<256x128xf32, #tpu.memory_space<hbm>>
      %dma_wait3A_63 = arith.constant 0 : i32
      %dma_wait3A_64 = tpu.memref_slice %arg6[%add3A_44, %dma_wait3A_63] : memref<32768x128xf32, #tpu.memory_space<hbm>> -> memref<256x128xf32, #tpu.memory_space<hbm>>
      tpu.wait_dma2 semaphore(%run_scoped3A : memref<!tpu.dma_semaphore, #tpu.memory_space<semaphore_mem>>) src(%arg9 : memref<256x128xf32, #tpu.memory_space<vmem>>) dst(%dma_wait3A_64 : memref<256x128xf32, #tpu.memory_space<hbm>>)
      tpu.yield
    }) : () -> ()
    return
  }
}

module attributes {stable_mosaic.version = 14 : i64} {
  func.func @_index_kernel(%arg0: i32, %arg1: i32, %arg2: memref<1x8x128xi32, #tpu.memory_space<vmem>>, %arg3: memref<8x1xi32, #tpu.memory_space<smem>>, %arg4: memref<1x1x1024xi32, #tpu.memory_space<vmem>>, %arg5: memref<1x1024x4xi32, #tpu.memory_space<vmem>>, %arg6: memref<4096x1xf32, #tpu.memory_space<vmem>>, %arg7: memref<4096x1xi32, #tpu.memory_space<vmem>>, %arg8: memref<4096x128xi32, #tpu.memory_space<vmem>>) attributes {dimension_semantics = [#tpu.dimension_semantics<arbitrary>, #tpu.dimension_semantics<arbitrary>], iteration_bounds = array<i64: 8, 8>, scalar_prefetch = 0 : i64, scratch_operands = 3 : i64, tpu.core_type = #tpu.core_type<tc>, window_params = [{transform_indices = @transform_0, window_bounds = array<i64: 1, 8, 128>}, {transform_indices = @transform_1, window_bounds = array<i64: 8, 1>}, {transform_indices = @transform_2, window_bounds = array<i64: 1, 1, 1024>}, {transform_indices = @transform_3, window_bounds = array<i64: 1, 1024, 4>}]} {
    %get3A = arith.index_cast %arg0 : i32 to index
    %get3A_0 = arith.constant 0 : index
    %get3A_1 = memref.load %arg3[%get3A, %get3A_0] : memref<8x1xi32, #tpu.memory_space<smem>>
    %eq3A = arith.constant 0 : i32
    %eq3A_2 = arith.cmpi eq, %arg1, %eq3A : i32
    %convert_element_type3A = arith.extui %eq3A_2 : i1 to i32
    %cond3A = arith.constant 0 : i32
    %cond3A_3 = arith.cmpi ne, %convert_element_type3A, %cond3A : i32
    scf.if %cond3A_3 {
      %broadcast_in_dim3A = arith.constant 0xFF800000 : f32
      %broadcast_in_dim3A_28 = vector.broadcast %broadcast_in_dim3A : f32 to vector<4096x1xf32>
      %swap3A = arith.constant 0 : index
      %swap3A_29 = arith.constant 0 : index
      %swap3A_30 = vector.load %arg6[%swap3A, %swap3A_29] : memref<4096x1xf32, #tpu.memory_space<vmem>>, vector<4096x1xf32>
      tpu.vector_store %arg6[%swap3A, %swap3A_29], %broadcast_in_dim3A_28 {strides = array<i32>} : memref<4096x1xf32, #tpu.memory_space<vmem>>, vector<4096x1xf32>,
      %broadcast_in_dim3A_31 = arith.constant 0 : i32
      %broadcast_in_dim3A_32 = vector.broadcast %broadcast_in_dim3A_31 : i32 to vector<4096x1xi32>
      %swap3A_33 = arith.constant 0 : index
      %swap3A_34 = arith.constant 0 : index
      %swap3A_35 = vector.load %arg7[%swap3A_33, %swap3A_34] : memref<4096x1xi32, #tpu.memory_space<vmem>>, vector<4096x1xi32>
      tpu.vector_store %arg7[%swap3A_33, %swap3A_34], %broadcast_in_dim3A_32 {strides = array<i32>} : memref<4096x1xi32, #tpu.memory_space<vmem>>, vector<4096x1xi32>,
    } else {
    }
    %eq3A_4 = arith.constant 0 : i32
    %eq3A_5 = arith.cmpi eq, %arg0, %eq3A_4 : i32
    %eq3A_6 = arith.constant 0 : i32
    %eq3A_7 = arith.cmpi eq, %arg1, %eq3A_6 : i32
    %and3A = arith.andi %eq3A_5, %eq3A_7 : i1
    %convert_element_type3A_8 = arith.extui %and3A : i1 to i32
    %cond3A_9 = arith.constant 0 : i32
    %cond3A_10 = arith.cmpi ne, %convert_element_type3A_8, %cond3A_9 : i32
    scf.if %cond3A_10 {
      %iota3A = tpu.iota {dimensions = array<i32: 0>} : vector<4096x128xi32>
      %mul3A_28 = arith.constant 1024 : i32
      %mul3A_29 = vector.broadcast %mul3A_28 : i32 to vector<4096x128xi32>
      %mul3A_30 = arith.muli %iota3A, %mul3A_29 : vector<4096x128xi32>
      %swap3A = arith.constant 0 : index
      %swap3A_31 = arith.constant 0 : index
      %swap3A_32 = vector.load %arg8[%swap3A, %swap3A_31] : memref<4096x128xi32, #tpu.memory_space<vmem>>, vector<4096x128xi32>
      tpu.vector_store %arg8[%swap3A, %swap3A_31], %mul3A_30 {strides = array<i32>} : memref<4096x128xi32, #tpu.memory_space<vmem>>, vector<4096x128xi32>,
    } else {
    }
    %add3A = arith.constant 1 : i32
    %add3A_11 = arith.addi %arg1, %add3A : i32
    %mul3A = arith.constant 128 : i32
    %mul3A_12 = arith.muli %add3A_11, %mul3A : i32
    %le3A = arith.cmpi sle, %mul3A_12, %get3A_1 : i32
    %convert_element_type3A_13 = arith.extui %le3A : i1 to i32
    %cond3A_14 = arith.constant 0 : i32
    %cond3A_15 = arith.cmpi ne, %convert_element_type3A_13, %cond3A_14 : i32
    scf.if %cond3A_15 {
      %mul3A_28 = arith.constant 4194304 : i32
      %mul3A_29 = arith.muli %arg0, %mul3A_28 : i32
      %get3A_30 = arith.constant 0 : index
      %get3A_31 = arith.index_cast %arg1 : i32 to index
      %get3A_32 = arith.constant 0 : index
      %get3A_33 = vector.load %arg2[%get3A_30, %get3A_31, %get3A_32] : memref<1x8x128xi32, #tpu.memory_space<vmem>>, vector<1x1x128xi32>
      %get3A_34 = vector.shape_cast %get3A_33 : vector<1x1x128xi32> to vector<128xi32>
      %get3A_35 = arith.constant 0 : index
      %get3A_36 = arith.constant 0 : index
      %get3A_37 = vector.load %arg8[%get3A_35, %get3A_36] : memref<4096x128xi32, #tpu.memory_space<vmem>>, vector<4096x128xi32>
      %add3A_38 = vector.broadcast %mul3A_29 : i32 to vector<128xi32>
      %add3A_39 = arith.addi %get3A_34, %add3A_38 : vector<128xi32>
      %reshape3A = vector.shape_cast %add3A_39 : vector<128xi32> to vector<1x128xi32>
      %add3A_40 = vector.broadcast %reshape3A : vector<1x128xi32> to vector<4096x128xi32>
      %add3A_41 = arith.addi %get3A_37, %add3A_40 : vector<4096x128xi32>
      %add3A_42 = arith.constant 42 : i32
      %add3A_43 = vector.broadcast %add3A_42 : i32 to vector<4096x128xi32>
      %add3A_44 = arith.addi %add3A_41, %add3A_43 : vector<4096x128xi32>
      %shift_left3A = arith.constant 13 : i32
      %shift_left3A_45 = vector.broadcast %shift_left3A : i32 to vector<4096x128xi32>
      %shift_left3A_46 = arith.shli %add3A_44, %shift_left3A_45 : vector<4096x128xi32>
      %shift_right_logical3A = arith.constant 19 : i32
      %shift_right_logical3A_47 = vector.broadcast %shift_right_logical3A : i32 to vector<4096x128xi32>
      %shift_right_logical3A_48 = arith.shrui %add3A_44, %shift_right_logical3A_47 : vector<4096x128xi32>
      %or3A = arith.ori %shift_left3A_46, %shift_right_logical3A_48 : vector<4096x128xi32>
      %xor3A = arith.xori %or3A, %add3A_44 : vector<4096x128xi32>
      %add3A_49 = arith.addi %add3A_44, %xor3A : vector<4096x128xi32>
      %shift_left3A_50 = arith.constant 15 : i32
      %shift_left3A_51 = vector.broadcast %shift_left3A_50 : i32 to vector<4096x128xi32>
      %shift_left3A_52 = arith.shli %xor3A, %shift_left3A_51 : vector<4096x128xi32>
      %shift_right_logical3A_53 = arith.constant 17 : i32
      %shift_right_logical3A_54 = vector.broadcast %shift_right_logical3A_53 : i32 to vector<4096x128xi32>
      %shift_right_logical3A_55 = arith.shrui %xor3A, %shift_right_logical3A_54 : vector<4096x128xi32>
      %or3A_56 = arith.ori %shift_left3A_52, %shift_right_logical3A_55 : vector<4096x128xi32>
      %xor3A_57 = arith.xori %or3A_56, %add3A_49 : vector<4096x128xi32>
      %add3A_58 = arith.addi %add3A_49, %xor3A_57 : vector<4096x128xi32>
      %shift_left3A_59 = arith.constant 26 : i32
      %shift_left3A_60 = vector.broadcast %shift_left3A_59 : i32 to vector<4096x128xi32>
      %shift_left3A_61 = arith.shli %xor3A_57, %shift_left3A_60 : vector<4096x128xi32>
      %shift_right_logical3A_62 = arith.constant 6 : i32
      %shift_right_logical3A_63 = vector.broadcast %shift_right_logical3A_62 : i32 to vector<4096x128xi32>
      %shift_right_logical3A_64 = arith.shrui %xor3A_57, %shift_right_logical3A_63 : vector<4096x128xi32>
      %or3A_65 = arith.ori %shift_left3A_61, %shift_right_logical3A_64 : vector<4096x128xi32>
      %xor3A_66 = arith.xori %or3A_65, %add3A_58 : vector<4096x128xi32>
      %add3A_67 = arith.addi %add3A_58, %xor3A_66 : vector<4096x128xi32>
      %shift_left3A_68 = arith.constant 6 : i32
      %shift_left3A_69 = vector.broadcast %shift_left3A_68 : i32 to vector<4096x128xi32>
      %shift_left3A_70 = arith.shli %xor3A_66, %shift_left3A_69 : vector<4096x128xi32>
      %shift_right_logical3A_71 = arith.constant 26 : i32
      %shift_right_logical3A_72 = vector.broadcast %shift_right_logical3A_71 : i32 to vector<4096x128xi32>
      %shift_right_logical3A_73 = arith.shrui %xor3A_66, %shift_right_logical3A_72 : vector<4096x128xi32>
      %or3A_74 = arith.ori %shift_left3A_70, %shift_right_logical3A_73 : vector<4096x128xi32>
      %xor3A_75 = arith.xori %or3A_74, %add3A_67 : vector<4096x128xi32>
      %add3A_76 = arith.constant 42 : i32
      %add3A_77 = vector.broadcast %add3A_76 : i32 to vector<4096x128xi32>
      %add3A_78 = arith.addi %add3A_67, %add3A_77 : vector<4096x128xi32>
      %add3A_79 = arith.constant 466689009 : i32
      %add3A_80 = vector.broadcast %add3A_79 : i32 to vector<4096x128xi32>
      %add3A_81 = arith.addi %xor3A_75, %add3A_80 : vector<4096x128xi32>
      %add3A_82 = arith.addi %add3A_78, %add3A_81 : vector<4096x128xi32>
      %shift_left3A_83 = arith.constant 17 : i32
      %shift_left3A_84 = vector.broadcast %shift_left3A_83 : i32 to vector<4096x128xi32>
      %shift_left3A_85 = arith.shli %add3A_81, %shift_left3A_84 : vector<4096x128xi32>
      %shift_right_logical3A_86 = arith.constant 15 : i32
      %shift_right_logical3A_87 = vector.broadcast %shift_right_logical3A_86 : i32 to vector<4096x128xi32>
      %shift_right_logical3A_88 = arith.shrui %add3A_81, %shift_right_logical3A_87 : vector<4096x128xi32>
      %or3A_89 = arith.ori %shift_left3A_85, %shift_right_logical3A_88 : vector<4096x128xi32>
      %xor3A_90 = arith.xori %or3A_89, %add3A_82 : vector<4096x128xi32>
      %add3A_91 = arith.addi %add3A_82, %xor3A_90 : vector<4096x128xi32>
      %shift_left3A_92 = arith.constant 29 : i32
      %shift_left3A_93 = vector.broadcast %shift_left3A_92 : i32 to vector<4096x128xi32>
      %shift_left3A_94 = arith.shli %xor3A_90, %shift_left3A_93 : vector<4096x128xi32>
      %shift_right_logical3A_95 = arith.constant 3 : i32
      %shift_right_logical3A_96 = vector.broadcast %shift_right_logical3A_95 : i32 to vector<4096x128xi32>
      %shift_right_logical3A_97 = arith.shrui %xor3A_90, %shift_right_logical3A_96 : vector<4096x128xi32>
      %or3A_98 = arith.ori %shift_left3A_94, %shift_right_logical3A_97 : vector<4096x128xi32>
      %xor3A_99 = arith.xori %or3A_98, %add3A_91 : vector<4096x128xi32>
      %add3A_100 = arith.addi %add3A_91, %xor3A_99 : vector<4096x128xi32>
      %shift_left3A_101 = arith.constant 16 : i32
      %shift_left3A_102 = vector.broadcast %shift_left3A_101 : i32 to vector<4096x128xi32>
      %shift_left3A_103 = arith.shli %xor3A_99, %shift_left3A_102 : vector<4096x128xi32>
      %shift_right_logical3A_104 = arith.constant 16 : i32
      %shift_right_logical3A_105 = vector.broadcast %shift_right_logical3A_104 : i32 to vector<4096x128xi32>
      %shift_right_logical3A_106 = arith.shrui %xor3A_99, %shift_right_logical3A_105 : vector<4096x128xi32>
      %or3A_107 = arith.ori %shift_left3A_103, %shift_right_logical3A_106 : vector<4096x128xi32>
      %xor3A_108 = arith.xori %or3A_107, %add3A_100 : vector<4096x128xi32>
      %add3A_109 = arith.addi %add3A_100, %xor3A_108 : vector<4096x128xi32>
      %shift_left3A_110 = arith.constant 24 : i32
      %shift_left3A_111 = vector.broadcast %shift_left3A_110 : i32 to vector<4096x128xi32>
      %shift_left3A_112 = arith.shli %xor3A_108, %shift_left3A_111 : vector<4096x128xi32>
      %shift_right_logical3A_113 = arith.constant 8 : i32
      %shift_right_logical3A_114 = vector.broadcast %shift_right_logical3A_113 : i32 to vector<4096x128xi32>
      %shift_right_logical3A_115 = arith.shrui %xor3A_108, %shift_right_logical3A_114 : vector<4096x128xi32>
      %or3A_116 = arith.ori %shift_left3A_112, %shift_right_logical3A_115 : vector<4096x128xi32>
      %xor3A_117 = arith.xori %or3A_116, %add3A_109 : vector<4096x128xi32>
      %add3A_118 = arith.constant 466689008 : i32
      %add3A_119 = vector.broadcast %add3A_118 : i32 to vector<4096x128xi32>
      %add3A_120 = arith.addi %add3A_109, %add3A_119 : vector<4096x128xi32>
      %add3A_121 = arith.constant 2 : i32
      %add3A_122 = vector.broadcast %add3A_121 : i32 to vector<4096x128xi32>
      %add3A_123 = arith.addi %xor3A_117, %add3A_122 : vector<4096x128xi32>
      %add3A_124 = arith.addi %add3A_120, %add3A_123 : vector<4096x128xi32>
      %shift_left3A_125 = arith.constant 13 : i32
      %shift_left3A_126 = vector.broadcast %shift_left3A_125 : i32 to vector<4096x128xi32>
      %shift_left3A_127 = arith.shli %add3A_123, %shift_left3A_126 : vector<4096x128xi32>
      %shift_right_logical3A_128 = arith.constant 19 : i32
      %shift_right_logical3A_129 = vector.broadcast %shift_right_logical3A_128 : i32 to vector<4096x128xi32>
      %shift_right_logical3A_130 = arith.shrui %add3A_123, %shift_right_logical3A_129 : vector<4096x128xi32>
      %or3A_131 = arith.ori %shift_left3A_127, %shift_right_logical3A_130 : vector<4096x128xi32>
      %xor3A_132 = arith.xori %or3A_131, %add3A_124 : vector<4096x128xi32>
      %add3A_133 = arith.addi %add3A_124, %xor3A_132 : vector<4096x128xi32>
      %shift_left3A_134 = arith.constant 15 : i32
      %shift_left3A_135 = vector.broadcast %shift_left3A_134 : i32 to vector<4096x128xi32>
      %shift_left3A_136 = arith.shli %xor3A_132, %shift_left3A_135 : vector<4096x128xi32>
      %shift_right_logical3A_137 = arith.constant 17 : i32
      %shift_right_logical3A_138 = vector.broadcast %shift_right_logical3A_137 : i32 to vector<4096x128xi32>
      %shift_right_logical3A_139 = arith.shrui %xor3A_132, %shift_right_logical3A_138 : vector<4096x128xi32>
      %or3A_140 = arith.ori %shift_left3A_136, %shift_right_logical3A_139 : vector<4096x128xi32>
      %xor3A_141 = arith.xori %or3A_140, %add3A_133 : vector<4096x128xi32>
      %add3A_142 = arith.addi %add3A_133, %xor3A_141 : vector<4096x128xi32>
      %shift_left3A_143 = arith.constant 26 : i32
      %shift_left3A_144 = vector.broadcast %shift_left3A_143 : i32 to vector<4096x128xi32>
      %shift_left3A_145 = arith.shli %xor3A_141, %shift_left3A_144 : vector<4096x128xi32>
      %shift_right_logical3A_146 = arith.constant 6 : i32
      %shift_right_logical3A_147 = vector.broadcast %shift_right_logical3A_146 : i32 to vector<4096x128xi32>
      %shift_right_logical3A_148 = arith.shrui %xor3A_141, %shift_right_logical3A_147 : vector<4096x128xi32>
      %or3A_149 = arith.ori %shift_left3A_145, %shift_right_logical3A_148 : vector<4096x128xi32>
      %xor3A_150 = arith.xori %or3A_149, %add3A_142 : vector<4096x128xi32>
      %add3A_151 = arith.addi %add3A_142, %xor3A_150 : vector<4096x128xi32>
      %shift_left3A_152 = arith.constant 6 : i32
      %shift_left3A_153 = vector.broadcast %shift_left3A_152 : i32 to vector<4096x128xi32>
      %shift_left3A_154 = arith.shli %xor3A_150, %shift_left3A_153 : vector<4096x128xi32>
      %shift_right_logical3A_155 = arith.constant 26 : i32
      %shift_right_logical3A_156 = vector.broadcast %shift_right_logical3A_155 : i32 to vector<4096x128xi32>
      %shift_right_logical3A_157 = arith.shrui %xor3A_150, %shift_right_logical3A_156 : vector<4096x128xi32>
      %or3A_158 = arith.ori %shift_left3A_154, %shift_right_logical3A_157 : vector<4096x128xi32>
      %xor3A_159 = arith.xori %or3A_158, %add3A_151 : vector<4096x128xi32>
      %add3A_160 = arith.constant 0 : i32
      %add3A_161 = vector.broadcast %add3A_160 : i32 to vector<4096x128xi32>
      %add3A_162 = arith.addi %add3A_151, %add3A_161 : vector<4096x128xi32>
      %add3A_163 = arith.constant 45 : i32
      %add3A_164 = vector.broadcast %add3A_163 : i32 to vector<4096x128xi32>
      %add3A_165 = arith.addi %xor3A_159, %add3A_164 : vector<4096x128xi32>
      %add3A_166 = arith.addi %add3A_162, %add3A_165 : vector<4096x128xi32>
      %shift_left3A_167 = arith.constant 17 : i32
      %shift_left3A_168 = vector.broadcast %shift_left3A_167 : i32 to vector<4096x128xi32>
      %shift_left3A_169 = arith.shli %add3A_165, %shift_left3A_168 : vector<4096x128xi32>
      %shift_right_logical3A_170 = arith.constant 15 : i32
      %shift_right_logical3A_171 = vector.broadcast %shift_right_logical3A_170 : i32 to vector<4096x128xi32>
      %shift_right_logical3A_172 = arith.shrui %add3A_165, %shift_right_logical3A_171 : vector<4096x128xi32>
      %or3A_173 = arith.ori %shift_left3A_169, %shift_right_logical3A_172 : vector<4096x128xi32>
      %xor3A_174 = arith.xori %or3A_173, %add3A_166 : vector<4096x128xi32>
      %add3A_175 = arith.addi %add3A_166, %xor3A_174 : vector<4096x128xi32>
      %shift_left3A_176 = arith.constant 29 : i32
      %shift_left3A_177 = vector.broadcast %shift_left3A_176 : i32 to vector<4096x128xi32>
      %shift_left3A_178 = arith.shli %xor3A_174, %shift_left3A_177 : vector<4096x128xi32>
      %shift_right_logical3A_179 = arith.constant 3 : i32
      %shift_right_logical3A_180 = vector.broadcast %shift_right_logical3A_179 : i32 to vector<4096x128xi32>
      %shift_right_logical3A_181 = arith.shrui %xor3A_174, %shift_right_logical3A_180 : vector<4096x128xi32>
      %or3A_182 = arith.ori %shift_left3A_178, %shift_right_logical3A_181 : vector<4096x128xi32>
      %xor3A_183 = arith.xori %or3A_182, %add3A_175 : vector<4096x128xi32>
      %add3A_184 = arith.addi %add3A_175, %xor3A_183 : vector<4096x128xi32>
      %shift_left3A_185 = arith.constant 16 : i32
      %shift_left3A_186 = vector.broadcast %shift_left3A_185 : i32 to vector<4096x128xi32>
      %shift_left3A_187 = arith.shli %xor3A_183, %shift_left3A_186 : vector<4096x128xi32>
      %shift_right_logical3A_188 = arith.constant 16 : i32
      %shift_right_logical3A_189 = vector.broadcast %shift_right_logical3A_188 : i32 to vector<4096x128xi32>
      %shift_right_logical3A_190 = arith.shrui %xor3A_183, %shift_right_logical3A_189 : vector<4096x128xi32>
      %or3A_191 = arith.ori %shift_left3A_187, %shift_right_logical3A_190 : vector<4096x128xi32>
      %xor3A_192 = arith.xori %or3A_191, %add3A_184 : vector<4096x128xi32>
      %add3A_193 = arith.addi %add3A_184, %xor3A_192 : vector<4096x128xi32>
      %shift_left3A_194 = arith.constant 24 : i32
      %shift_left3A_195 = vector.broadcast %shift_left3A_194 : i32 to vector<4096x128xi32>
      %shift_left3A_196 = arith.shli %xor3A_192, %shift_left3A_195 : vector<4096x128xi32>
      %shift_right_logical3A_197 = arith.constant 8 : i32
      %shift_right_logical3A_198 = vector.broadcast %shift_right_logical3A_197 : i32 to vector<4096x128xi32>
      %shift_right_logical3A_199 = arith.shrui %xor3A_192, %shift_right_logical3A_198 : vector<4096x128xi32>
      %or3A_200 = arith.ori %shift_left3A_196, %shift_right_logical3A_199 : vector<4096x128xi32>
      %xor3A_201 = arith.xori %or3A_200, %add3A_193 : vector<4096x128xi32>
      %add3A_202 = arith.constant 42 : i32
      %add3A_203 = vector.broadcast %add3A_202 : i32 to vector<4096x128xi32>
      %add3A_204 = arith.addi %add3A_193, %add3A_203 : vector<4096x128xi32>
      %add3A_205 = arith.constant 466689012 : i32
      %add3A_206 = vector.broadcast %add3A_205 : i32 to vector<4096x128xi32>
      %add3A_207 = arith.addi %xor3A_201, %add3A_206 : vector<4096x128xi32>
      %add3A_208 = arith.addi %add3A_204, %add3A_207 : vector<4096x128xi32>
      %shift_left3A_209 = arith.constant 13 : i32
      %shift_left3A_210 = vector.broadcast %shift_left3A_209 : i32 to vector<4096x128xi32>
      %shift_left3A_211 = arith.shli %add3A_207, %shift_left3A_210 : vector<4096x128xi32>
      %shift_right_logical3A_212 = arith.constant 19 : i32
      %shift_right_logical3A_213 = vector.broadcast %shift_right_logical3A_212 : i32 to vector<4096x128xi32>
      %shift_right_logical3A_214 = arith.shrui %add3A_207, %shift_right_logical3A_213 : vector<4096x128xi32>
      %or3A_215 = arith.ori %shift_left3A_211, %shift_right_logical3A_214 : vector<4096x128xi32>
      %xor3A_216 = arith.xori %or3A_215, %add3A_208 : vector<4096x128xi32>
      %add3A_217 = arith.addi %add3A_208, %xor3A_216 : vector<4096x128xi32>
      %shift_left3A_218 = arith.constant 15 : i32
      %shift_left3A_219 = vector.broadcast %shift_left3A_218 : i32 to vector<4096x128xi32>
      %shift_left3A_220 = arith.shli %xor3A_216, %shift_left3A_219 : vector<4096x128xi32>
      %shift_right_logical3A_221 = arith.constant 17 : i32
      %shift_right_logical3A_222 = vector.broadcast %shift_right_logical3A_221 : i32 to vector<4096x128xi32>
      %shift_right_logical3A_223 = arith.shrui %xor3A_216, %shift_right_logical3A_222 : vector<4096x128xi32>
      %or3A_224 = arith.ori %shift_left3A_220, %shift_right_logical3A_223 : vector<4096x128xi32>
      %xor3A_225 = arith.xori %or3A_224, %add3A_217 : vector<4096x128xi32>
      %add3A_226 = arith.addi %add3A_217, %xor3A_225 : vector<4096x128xi32>
      %shift_left3A_227 = arith.constant 26 : i32
      %shift_left3A_228 = vector.broadcast %shift_left3A_227 : i32 to vector<4096x128xi32>
      %shift_left3A_229 = arith.shli %xor3A_225, %shift_left3A_228 : vector<4096x128xi32>
      %shift_right_logical3A_230 = arith.constant 6 : i32
      %shift_right_logical3A_231 = vector.broadcast %shift_right_logical3A_230 : i32 to vector<4096x128xi32>
      %shift_right_logical3A_232 = arith.shrui %xor3A_225, %shift_right_logical3A_231 : vector<4096x128xi32>
      %or3A_233 = arith.ori %shift_left3A_229, %shift_right_logical3A_232 : vector<4096x128xi32>
      %xor3A_234 = arith.xori %or3A_233, %add3A_226 : vector<4096x128xi32>
      %add3A_235 = arith.addi %add3A_226, %xor3A_234 : vector<4096x128xi32>
      %shift_left3A_236 = arith.constant 6 : i32
      %shift_left3A_237 = vector.broadcast %shift_left3A_236 : i32 to vector<4096x128xi32>
      %shift_left3A_238 = arith.shli %xor3A_234, %shift_left3A_237 : vector<4096x128xi32>
      %shift_right_logical3A_239 = arith.constant 26 : i32
      %shift_right_logical3A_240 = vector.broadcast %shift_right_logical3A_239 : i32 to vector<4096x128xi32>
      %shift_right_logical3A_241 = arith.shrui %xor3A_234, %shift_right_logical3A_240 : vector<4096x128xi32>
      %or3A_242 = arith.ori %shift_left3A_238, %shift_right_logical3A_241 : vector<4096x128xi32>
      %xor3A_243 = arith.xori %or3A_242, %add3A_235 : vector<4096x128xi32>
      %add3A_244 = arith.constant 466689008 : i32
      %add3A_245 = vector.broadcast %add3A_244 : i32 to vector<4096x128xi32>
      %add3A_246 = arith.addi %add3A_235, %add3A_245 : vector<4096x128xi32>
      %add3A_247 = arith.constant 5 : i32
      %add3A_248 = vector.broadcast %add3A_247 : i32 to vector<4096x128xi32>
      %add3A_249 = arith.addi %xor3A_243, %add3A_248 : vector<4096x128xi32>
      %xor3A_250 = arith.xori %add3A_246, %add3A_249 : vector<4096x128xi32>
      %shift_right_logical3A_251 = arith.constant 9 : i32
      %shift_right_logical3A_252 = vector.broadcast %shift_right_logical3A_251 : i32 to vector<4096x128xi32>
      %shift_right_logical3A_253 = arith.shrui %xor3A_250, %shift_right_logical3A_252 : vector<4096x128xi32>
      %or3A_254 = arith.constant 1065353216 : i32
      %or3A_255 = vector.broadcast %or3A_254 : i32 to vector<4096x128xi32>
      %or3A_256 = arith.ori %shift_right_logical3A_253, %or3A_255 : vector<4096x128xi32>
      %bitcast_convert_type3A = tpu.bitcast %or3A_256 : vector<4096x128xi32> -> vector<4096x128xf32>
      %sub3A = arith.constant 1.000000e+00 : f32
      %sub3A_257 = vector.broadcast %sub3A : f32 to vector<4096x128xf32>
      %sub3A_258 = arith.subf %bitcast_convert_type3A, %sub3A_257 : vector<4096x128xf32>
      %max3A = arith.constant 1.17549435E-38 : f32
      %max3A_259 = vector.broadcast %max3A : f32 to vector<4096x128xf32>
      %max3A_260 = arith.maximumf %sub3A_258, %max3A_259 : vector<4096x128xf32>
      %log3A = math.log %max3A_260 : vector<4096x128xf32>
      %neg3A = arith.constant 0.000000e+00 : f32
      %neg3A_261 = vector.broadcast %neg3A : f32 to vector<4096x128xf32>
      %neg3A_262 = arith.subf %neg3A_261, %log3A : vector<4096x128xf32>
      %log3A_263 = math.log %neg3A_262 : vector<4096x128xf32>
      %neg3A_264 = arith.constant 0.000000e+00 : f32
      %neg3A_265 = vector.broadcast %neg3A_264 : f32 to vector<4096x128xf32>
      %neg3A_266 = arith.subf %neg3A_265, %log3A_263 : vector<4096x128xf32>
      %reduce_max3A = arith.constant dense<0xFF800000> : vector<4096xf32>
      %reduce_max3A_267 = vector.multi_reduction <maximumf>, %neg3A_266, %reduce_max3A [1] : vector<4096x128xf32> to vector<4096xf32>
      %broadcast_in_dim3A = vector.shape_cast %reduce_max3A_267 : vector<4096xf32> to vector<4096x1xf32>
      %reshape3A_268 = vector.shape_cast %get3A_34 : vector<128xi32> to vector<1x128xi32>
      %broadcast_in_dim3A_269 = vector.shape_cast %reshape3A_268 : vector<1x128xi32> to vector<1x128xi32>
      %broadcast_in_dim3A_270 = vector.broadcast %broadcast_in_dim3A_269 : vector<1x128xi32> to vector<4096x128xi32>
      %eq3A_271 = vector.broadcast %broadcast_in_dim3A : vector<4096x1xf32> to vector<4096x128xf32>
      %eq3A_272 = arith.cmpf oeq, %neg3A_266, %eq3A_271 : vector<4096x128xf32>
      %jit3A = arith.constant 1024 : i32
      %broadcast_in_dim3A_273 = vector.broadcast %jit3A : i32 to vector<4096x128xi32>
      %select_n3A = arith.select %eq3A_272, %broadcast_in_dim3A_270, %broadcast_in_dim3A_273 : vector<4096x128xi1>, vector<4096x128xi32>
      %reduce_min3A = arith.constant dense<2147483647> : vector<4096xi32>
      %reduce_min3A_274 = vector.multi_reduction <minsi>, %select_n3A, %reduce_min3A [1] : vector<4096x128xi32> to vector<4096xi32>
      %broadcast_in_dim3A_275 = vector.shape_cast %reduce_min3A_274 : vector<4096xi32> to vector<4096x1xi32>
      %get3A_276 = arith.constant 0 : index
      %get3A_277 = arith.constant 0 : index
      %get3A_278 = vector.load %arg6[%get3A_276, %get3A_277] : memref<4096x1xf32, #tpu.memory_space<vmem>>, vector<4096x1xf32>
      %gt3A = arith.cmpf ogt, %broadcast_in_dim3A, %get3A_278 : vector<4096x1xf32>
      %select_n3A_279 = arith.select %gt3A, %broadcast_in_dim3A, %get3A_278 : vector<4096x1xi1>, vector<4096x1xf32>
      %swap3A = arith.constant 0 : index
      %swap3A_280 = arith.constant 0 : index
      %swap3A_281 = vector.load %arg6[%swap3A, %swap3A_280] : memref<4096x1xf32, #tpu.memory_space<vmem>>, vector<4096x1xf32>
      tpu.vector_store %arg6[%swap3A, %swap3A_280], %select_n3A_279 {strides = array<i32>} : memref<4096x1xf32, #tpu.memory_space<vmem>>, vector<4096x1xf32>,
      %get3A_282 = arith.constant 0 : index
      %get3A_283 = arith.constant 0 : index
      %get3A_284 = vector.load %arg7[%get3A_282, %get3A_283] : memref<4096x1xi32, #tpu.memory_space<vmem>>, vector<4096x1xi32>
      %select_n3A_285 = arith.select %gt3A, %broadcast_in_dim3A_275, %get3A_284 : vector<4096x1xi1>, vector<4096x1xi32>
      %swap3A_286 = arith.constant 0 : index
      %swap3A_287 = arith.constant 0 : index
      %swap3A_288 = vector.load %arg7[%swap3A_286, %swap3A_287] : memref<4096x1xi32, #tpu.memory_space<vmem>>, vector<4096x1xi32>
      tpu.vector_store %arg7[%swap3A_286, %swap3A_287], %select_n3A_285 {strides = array<i32>} : memref<4096x1xi32, #tpu.memory_space<vmem>>, vector<4096x1xi32>,
    } else {
    }
    %mul3A_16 = arith.constant 128 : i32
    %mul3A_17 = arith.muli %arg1, %mul3A_16 : i32
    %lt3A = arith.cmpi slt, %mul3A_17, %get3A_1 : i32
    %lt3A_18 = arith.cmpi slt, %get3A_1, %mul3A_12 : i32
    %and3A_19 = arith.andi %lt3A, %lt3A_18 : i1
    %convert_element_type3A_20 = arith.extui %and3A_19 : i1 to i32
    %cond3A_21 = arith.constant 0 : i32
    %cond3A_22 = arith.cmpi ne, %convert_element_type3A_20, %cond3A_21 : i32
    scf.if %cond3A_22 {
      %mul3A_28 = arith.constant 4194304 : i32
      %mul3A_29 = arith.muli %arg0, %mul3A_28 : i32
      %get3A_30 = arith.constant 0 : index
      %get3A_31 = arith.index_cast %arg1 : i32 to index
      %get3A_32 = arith.constant 0 : index
      %get3A_33 = vector.load %arg2[%get3A_30, %get3A_31, %get3A_32] : memref<1x8x128xi32, #tpu.memory_space<vmem>>, vector<1x1x128xi32>
      %get3A_34 = vector.shape_cast %get3A_33 : vector<1x1x128xi32> to vector<128xi32>
      %get3A_35 = arith.constant 0 : index
      %get3A_36 = arith.constant 0 : index
      %get3A_37 = vector.load %arg8[%get3A_35, %get3A_36] : memref<4096x128xi32, #tpu.memory_space<vmem>>, vector<4096x128xi32>
      %add3A_38 = vector.broadcast %mul3A_29 : i32 to vector<128xi32>
      %add3A_39 = arith.addi %get3A_34, %add3A_38 : vector<128xi32>
      %reshape3A = vector.shape_cast %add3A_39 : vector<128xi32> to vector<1x128xi32>
      %add3A_40 = vector.broadcast %reshape3A : vector<1x128xi32> to vector<4096x128xi32>
      %add3A_41 = arith.addi %get3A_37, %add3A_40 : vector<4096x128xi32>
      %add3A_42 = arith.constant 42 : i32
      %add3A_43 = vector.broadcast %add3A_42 : i32 to vector<4096x128xi32>
      %add3A_44 = arith.addi %add3A_41, %add3A_43 : vector<4096x128xi32>
      %shift_left3A = arith.constant 13 : i32
      %shift_left3A_45 = vector.broadcast %shift_left3A : i32 to vector<4096x128xi32>
      %shift_left3A_46 = arith.shli %add3A_44, %shift_left3A_45 : vector<4096x128xi32>
      %shift_right_logical3A = arith.constant 19 : i32
      %shift_right_logical3A_47 = vector.broadcast %shift_right_logical3A : i32 to vector<4096x128xi32>
      %shift_right_logical3A_48 = arith.shrui %add3A_44, %shift_right_logical3A_47 : vector<4096x128xi32>
      %or3A = arith.ori %shift_left3A_46, %shift_right_logical3A_48 : vector<4096x128xi32>
      %xor3A = arith.xori %or3A, %add3A_44 : vector<4096x128xi32>
      %add3A_49 = arith.addi %add3A_44, %xor3A : vector<4096x128xi32>
      %shift_left3A_50 = arith.constant 15 : i32
      %shift_left3A_51 = vector.broadcast %shift_left3A_50 : i32 to vector<4096x128xi32>
      %shift_left3A_52 = arith.shli %xor3A, %shift_left3A_51 : vector<4096x128xi32>
      %shift_right_logical3A_53 = arith.constant 17 : i32
      %shift_right_logical3A_54 = vector.broadcast %shift_right_logical3A_53 : i32 to vector<4096x128xi32>
      %shift_right_logical3A_55 = arith.shrui %xor3A, %shift_right_logical3A_54 : vector<4096x128xi32>
      %or3A_56 = arith.ori %shift_left3A_52, %shift_right_logical3A_55 : vector<4096x128xi32>
      %xor3A_57 = arith.xori %or3A_56, %add3A_49 : vector<4096x128xi32>
      %add3A_58 = arith.addi %add3A_49, %xor3A_57 : vector<4096x128xi32>
      %shift_left3A_59 = arith.constant 26 : i32
      %shift_left3A_60 = vector.broadcast %shift_left3A_59 : i32 to vector<4096x128xi32>
      %shift_left3A_61 = arith.shli %xor3A_57, %shift_left3A_60 : vector<4096x128xi32>
      %shift_right_logical3A_62 = arith.constant 6 : i32
      %shift_right_logical3A_63 = vector.broadcast %shift_right_logical3A_62 : i32 to vector<4096x128xi32>
      %shift_right_logical3A_64 = arith.shrui %xor3A_57, %shift_right_logical3A_63 : vector<4096x128xi32>
      %or3A_65 = arith.ori %shift_left3A_61, %shift_right_logical3A_64 : vector<4096x128xi32>
      %xor3A_66 = arith.xori %or3A_65, %add3A_58 : vector<4096x128xi32>
      %add3A_67 = arith.addi %add3A_58, %xor3A_66 : vector<4096x128xi32>
      %shift_left3A_68 = arith.constant 6 : i32
      %shift_left3A_69 = vector.broadcast %shift_left3A_68 : i32 to vector<4096x128xi32>
      %shift_left3A_70 = arith.shli %xor3A_66, %shift_left3A_69 : vector<4096x128xi32>
      %shift_right_logical3A_71 = arith.constant 26 : i32
      %shift_right_logical3A_72 = vector.broadcast %shift_right_logical3A_71 : i32 to vector<4096x128xi32>
      %shift_right_logical3A_73 = arith.shrui %xor3A_66, %shift_right_logical3A_72 : vector<4096x128xi32>
      %or3A_74 = arith.ori %shift_left3A_70, %shift_right_logical3A_73 : vector<4096x128xi32>
      %xor3A_75 = arith.xori %or3A_74, %add3A_67 : vector<4096x128xi32>
      %add3A_76 = arith.constant 42 : i32
      %add3A_77 = vector.broadcast %add3A_76 : i32 to vector<4096x128xi32>
      %add3A_78 = arith.addi %add3A_67, %add3A_77 : vector<4096x128xi32>
      %add3A_79 = arith.constant 466689009 : i32
      %add3A_80 = vector.broadcast %add3A_79 : i32 to vector<4096x128xi32>
      %add3A_81 = arith.addi %xor3A_75, %add3A_80 : vector<4096x128xi32>
      %add3A_82 = arith.addi %add3A_78, %add3A_81 : vector<4096x128xi32>
      %shift_left3A_83 = arith.constant 17 : i32
      %shift_left3A_84 = vector.broadcast %shift_left3A_83 : i32 to vector<4096x128xi32>
      %shift_left3A_85 = arith.shli %add3A_81, %shift_left3A_84 : vector<4096x128xi32>
      %shift_right_logical3A_86 = arith.constant 15 : i32
      %shift_right_logical3A_87 = vector.broadcast %shift_right_logical3A_86 : i32 to vector<4096x128xi32>
      %shift_right_logical3A_88 = arith.shrui %add3A_81, %shift_right_logical3A_87 : vector<4096x128xi32>
      %or3A_89 = arith.ori %shift_left3A_85, %shift_right_logical3A_88 : vector<4096x128xi32>
      %xor3A_90 = arith.xori %or3A_89, %add3A_82 : vector<4096x128xi32>
      %add3A_91 = arith.addi %add3A_82, %xor3A_90 : vector<4096x128xi32>
      %shift_left3A_92 = arith.constant 29 : i32
      %shift_left3A_93 = vector.broadcast %shift_left3A_92 : i32 to vector<4096x128xi32>
      %shift_left3A_94 = arith.shli %xor3A_90, %shift_left3A_93 : vector<4096x128xi32>
      %shift_right_logical3A_95 = arith.constant 3 : i32
      %shift_right_logical3A_96 = vector.broadcast %shift_right_logical3A_95 : i32 to vector<4096x128xi32>
      %shift_right_logical3A_97 = arith.shrui %xor3A_90, %shift_right_logical3A_96 : vector<4096x128xi32>
      %or3A_98 = arith.ori %shift_left3A_94, %shift_right_logical3A_97 : vector<4096x128xi32>
      %xor3A_99 = arith.xori %or3A_98, %add3A_91 : vector<4096x128xi32>
      %add3A_100 = arith.addi %add3A_91, %xor3A_99 : vector<4096x128xi32>
      %shift_left3A_101 = arith.constant 16 : i32
      %shift_left3A_102 = vector.broadcast %shift_left3A_101 : i32 to vector<4096x128xi32>
      %shift_left3A_103 = arith.shli %xor3A_99, %shift_left3A_102 : vector<4096x128xi32>
      %shift_right_logical3A_104 = arith.constant 16 : i32
      %shift_right_logical3A_105 = vector.broadcast %shift_right_logical3A_104 : i32 to vector<4096x128xi32>
      %shift_right_logical3A_106 = arith.shrui %xor3A_99, %shift_right_logical3A_105 : vector<4096x128xi32>
      %or3A_107 = arith.ori %shift_left3A_103, %shift_right_logical3A_106 : vector<4096x128xi32>
      %xor3A_108 = arith.xori %or3A_107, %add3A_100 : vector<4096x128xi32>
      %add3A_109 = arith.addi %add3A_100, %xor3A_108 : vector<4096x128xi32>
      %shift_left3A_110 = arith.constant 24 : i32
      %shift_left3A_111 = vector.broadcast %shift_left3A_110 : i32 to vector<4096x128xi32>
      %shift_left3A_112 = arith.shli %xor3A_108, %shift_left3A_111 : vector<4096x128xi32>
      %shift_right_logical3A_113 = arith.constant 8 : i32
      %shift_right_logical3A_114 = vector.broadcast %shift_right_logical3A_113 : i32 to vector<4096x128xi32>
      %shift_right_logical3A_115 = arith.shrui %xor3A_108, %shift_right_logical3A_114 : vector<4096x128xi32>
      %or3A_116 = arith.ori %shift_left3A_112, %shift_right_logical3A_115 : vector<4096x128xi32>
      %xor3A_117 = arith.xori %or3A_116, %add3A_109 : vector<4096x128xi32>
      %add3A_118 = arith.constant 466689008 : i32
      %add3A_119 = vector.broadcast %add3A_118 : i32 to vector<4096x128xi32>
      %add3A_120 = arith.addi %add3A_109, %add3A_119 : vector<4096x128xi32>
      %add3A_121 = arith.constant 2 : i32
      %add3A_122 = vector.broadcast %add3A_121 : i32 to vector<4096x128xi32>
      %add3A_123 = arith.addi %xor3A_117, %add3A_122 : vector<4096x128xi32>
      %add3A_124 = arith.addi %add3A_120, %add3A_123 : vector<4096x128xi32>
      %shift_left3A_125 = arith.constant 13 : i32
      %shift_left3A_126 = vector.broadcast %shift_left3A_125 : i32 to vector<4096x128xi32>
      %shift_left3A_127 = arith.shli %add3A_123, %shift_left3A_126 : vector<4096x128xi32>
      %shift_right_logical3A_128 = arith.constant 19 : i32
      %shift_right_logical3A_129 = vector.broadcast %shift_right_logical3A_128 : i32 to vector<4096x128xi32>
      %shift_right_logical3A_130 = arith.shrui %add3A_123, %shift_right_logical3A_129 : vector<4096x128xi32>
      %or3A_131 = arith.ori %shift_left3A_127, %shift_right_logical3A_130 : vector<4096x128xi32>
      %xor3A_132 = arith.xori %or3A_131, %add3A_124 : vector<4096x128xi32>
      %add3A_133 = arith.addi %add3A_124, %xor3A_132 : vector<4096x128xi32>
      %shift_left3A_134 = arith.constant 15 : i32
      %shift_left3A_135 = vector.broadcast %shift_left3A_134 : i32 to vector<4096x128xi32>
      %shift_left3A_136 = arith.shli %xor3A_132, %shift_left3A_135 : vector<4096x128xi32>
      %shift_right_logical3A_137 = arith.constant 17 : i32
      %shift_right_logical3A_138 = vector.broadcast %shift_right_logical3A_137 : i32 to vector<4096x128xi32>
      %shift_right_logical3A_139 = arith.shrui %xor3A_132, %shift_right_logical3A_138 : vector<4096x128xi32>
      %or3A_140 = arith.ori %shift_left3A_136, %shift_right_logical3A_139 : vector<4096x128xi32>
      %xor3A_141 = arith.xori %or3A_140, %add3A_133 : vector<4096x128xi32>
      %add3A_142 = arith.addi %add3A_133, %xor3A_141 : vector<4096x128xi32>
      %shift_left3A_143 = arith.constant 26 : i32
      %shift_left3A_144 = vector.broadcast %shift_left3A_143 : i32 to vector<4096x128xi32>
      %shift_left3A_145 = arith.shli %xor3A_141, %shift_left3A_144 : vector<4096x128xi32>
      %shift_right_logical3A_146 = arith.constant 6 : i32
      %shift_right_logical3A_147 = vector.broadcast %shift_right_logical3A_146 : i32 to vector<4096x128xi32>
      %shift_right_logical3A_148 = arith.shrui %xor3A_141, %shift_right_logical3A_147 : vector<4096x128xi32>
      %or3A_149 = arith.ori %shift_left3A_145, %shift_right_logical3A_148 : vector<4096x128xi32>
      %xor3A_150 = arith.xori %or3A_149, %add3A_142 : vector<4096x128xi32>
      %add3A_151 = arith.addi %add3A_142, %xor3A_150 : vector<4096x128xi32>
      %shift_left3A_152 = arith.constant 6 : i32
      %shift_left3A_153 = vector.broadcast %shift_left3A_152 : i32 to vector<4096x128xi32>
      %shift_left3A_154 = arith.shli %xor3A_150, %shift_left3A_153 : vector<4096x128xi32>
      %shift_right_logical3A_155 = arith.constant 26 : i32
      %shift_right_logical3A_156 = vector.broadcast %shift_right_logical3A_155 : i32 to vector<4096x128xi32>
      %shift_right_logical3A_157 = arith.shrui %xor3A_150, %shift_right_logical3A_156 : vector<4096x128xi32>
      %or3A_158 = arith.ori %shift_left3A_154, %shift_right_logical3A_157 : vector<4096x128xi32>
      %xor3A_159 = arith.xori %or3A_158, %add3A_151 : vector<4096x128xi32>
      %add3A_160 = arith.constant 0 : i32
      %add3A_161 = vector.broadcast %add3A_160 : i32 to vector<4096x128xi32>
      %add3A_162 = arith.addi %add3A_151, %add3A_161 : vector<4096x128xi32>
      %add3A_163 = arith.constant 45 : i32
      %add3A_164 = vector.broadcast %add3A_163 : i32 to vector<4096x128xi32>
      %add3A_165 = arith.addi %xor3A_159, %add3A_164 : vector<4096x128xi32>
      %add3A_166 = arith.addi %add3A_162, %add3A_165 : vector<4096x128xi32>
      %shift_left3A_167 = arith.constant 17 : i32
      %shift_left3A_168 = vector.broadcast %shift_left3A_167 : i32 to vector<4096x128xi32>
      %shift_left3A_169 = arith.shli %add3A_165, %shift_left3A_168 : vector<4096x128xi32>
      %shift_right_logical3A_170 = arith.constant 15 : i32
      %shift_right_logical3A_171 = vector.broadcast %shift_right_logical3A_170 : i32 to vector<4096x128xi32>
      %shift_right_logical3A_172 = arith.shrui %add3A_165, %shift_right_logical3A_171 : vector<4096x128xi32>
      %or3A_173 = arith.ori %shift_left3A_169, %shift_right_logical3A_172 : vector<4096x128xi32>
      %xor3A_174 = arith.xori %or3A_173, %add3A_166 : vector<4096x128xi32>
      %add3A_175 = arith.addi %add3A_166, %xor3A_174 : vector<4096x128xi32>
      %shift_left3A_176 = arith.constant 29 : i32
      %shift_left3A_177 = vector.broadcast %shift_left3A_176 : i32 to vector<4096x128xi32>
      %shift_left3A_178 = arith.shli %xor3A_174, %shift_left3A_177 : vector<4096x128xi32>
      %shift_right_logical3A_179 = arith.constant 3 : i32
      %shift_right_logical3A_180 = vector.broadcast %shift_right_logical3A_179 : i32 to vector<4096x128xi32>
      %shift_right_logical3A_181 = arith.shrui %xor3A_174, %shift_right_logical3A_180 : vector<4096x128xi32>
      %or3A_182 = arith.ori %shift_left3A_178, %shift_right_logical3A_181 : vector<4096x128xi32>
      %xor3A_183 = arith.xori %or3A_182, %add3A_175 : vector<4096x128xi32>
      %add3A_184 = arith.addi %add3A_175, %xor3A_183 : vector<4096x128xi32>
      %shift_left3A_185 = arith.constant 16 : i32
      %shift_left3A_186 = vector.broadcast %shift_left3A_185 : i32 to vector<4096x128xi32>
      %shift_left3A_187 = arith.shli %xor3A_183, %shift_left3A_186 : vector<4096x128xi32>
      %shift_right_logical3A_188 = arith.constant 16 : i32
      %shift_right_logical3A_189 = vector.broadcast %shift_right_logical3A_188 : i32 to vector<4096x128xi32>
      %shift_right_logical3A_190 = arith.shrui %xor3A_183, %shift_right_logical3A_189 : vector<4096x128xi32>
      %or3A_191 = arith.ori %shift_left3A_187, %shift_right_logical3A_190 : vector<4096x128xi32>
      %xor3A_192 = arith.xori %or3A_191, %add3A_184 : vector<4096x128xi32>
      %add3A_193 = arith.addi %add3A_184, %xor3A_192 : vector<4096x128xi32>
      %shift_left3A_194 = arith.constant 24 : i32
      %shift_left3A_195 = vector.broadcast %shift_left3A_194 : i32 to vector<4096x128xi32>
      %shift_left3A_196 = arith.shli %xor3A_192, %shift_left3A_195 : vector<4096x128xi32>
      %shift_right_logical3A_197 = arith.constant 8 : i32
      %shift_right_logical3A_198 = vector.broadcast %shift_right_logical3A_197 : i32 to vector<4096x128xi32>
      %shift_right_logical3A_199 = arith.shrui %xor3A_192, %shift_right_logical3A_198 : vector<4096x128xi32>
      %or3A_200 = arith.ori %shift_left3A_196, %shift_right_logical3A_199 : vector<4096x128xi32>
      %xor3A_201 = arith.xori %or3A_200, %add3A_193 : vector<4096x128xi32>
      %add3A_202 = arith.constant 42 : i32
      %add3A_203 = vector.broadcast %add3A_202 : i32 to vector<4096x128xi32>
      %add3A_204 = arith.addi %add3A_193, %add3A_203 : vector<4096x128xi32>
      %add3A_205 = arith.constant 466689012 : i32
      %add3A_206 = vector.broadcast %add3A_205 : i32 to vector<4096x128xi32>
      %add3A_207 = arith.addi %xor3A_201, %add3A_206 : vector<4096x128xi32>
      %add3A_208 = arith.addi %add3A_204, %add3A_207 : vector<4096x128xi32>
      %shift_left3A_209 = arith.constant 13 : i32
      %shift_left3A_210 = vector.broadcast %shift_left3A_209 : i32 to vector<4096x128xi32>
      %shift_left3A_211 = arith.shli %add3A_207, %shift_left3A_210 : vector<4096x128xi32>
      %shift_right_logical3A_212 = arith.constant 19 : i32
      %shift_right_logical3A_213 = vector.broadcast %shift_right_logical3A_212 : i32 to vector<4096x128xi32>
      %shift_right_logical3A_214 = arith.shrui %add3A_207, %shift_right_logical3A_213 : vector<4096x128xi32>
      %or3A_215 = arith.ori %shift_left3A_211, %shift_right_logical3A_214 : vector<4096x128xi32>
      %xor3A_216 = arith.xori %or3A_215, %add3A_208 : vector<4096x128xi32>
      %add3A_217 = arith.addi %add3A_208, %xor3A_216 : vector<4096x128xi32>
      %shift_left3A_218 = arith.constant 15 : i32
      %shift_left3A_219 = vector.broadcast %shift_left3A_218 : i32 to vector<4096x128xi32>
      %shift_left3A_220 = arith.shli %xor3A_216, %shift_left3A_219 : vector<4096x128xi32>
      %shift_right_logical3A_221 = arith.constant 17 : i32
      %shift_right_logical3A_222 = vector.broadcast %shift_right_logical3A_221 : i32 to vector<4096x128xi32>
      %shift_right_logical3A_223 = arith.shrui %xor3A_216, %shift_right_logical3A_222 : vector<4096x128xi32>
      %or3A_224 = arith.ori %shift_left3A_220, %shift_right_logical3A_223 : vector<4096x128xi32>
      %xor3A_225 = arith.xori %or3A_224, %add3A_217 : vector<4096x128xi32>
      %add3A_226 = arith.addi %add3A_217, %xor3A_225 : vector<4096x128xi32>
      %shift_left3A_227 = arith.constant 26 : i32
      %shift_left3A_228 = vector.broadcast %shift_left3A_227 : i32 to vector<4096x128xi32>
      %shift_left3A_229 = arith.shli %xor3A_225, %shift_left3A_228 : vector<4096x128xi32>
      %shift_right_logical3A_230 = arith.constant 6 : i32
      %shift_right_logical3A_231 = vector.broadcast %shift_right_logical3A_230 : i32 to vector<4096x128xi32>
      %shift_right_logical3A_232 = arith.shrui %xor3A_225, %shift_right_logical3A_231 : vector<4096x128xi32>
      %or3A_233 = arith.ori %shift_left3A_229, %shift_right_logical3A_232 : vector<4096x128xi32>
      %xor3A_234 = arith.xori %or3A_233, %add3A_226 : vector<4096x128xi32>
      %add3A_235 = arith.addi %add3A_226, %xor3A_234 : vector<4096x128xi32>
      %shift_left3A_236 = arith.constant 6 : i32
      %shift_left3A_237 = vector.broadcast %shift_left3A_236 : i32 to vector<4096x128xi32>
      %shift_left3A_238 = arith.shli %xor3A_234, %shift_left3A_237 : vector<4096x128xi32>
      %shift_right_logical3A_239 = arith.constant 26 : i32
      %shift_right_logical3A_240 = vector.broadcast %shift_right_logical3A_239 : i32 to vector<4096x128xi32>
      %shift_right_logical3A_241 = arith.shrui %xor3A_234, %shift_right_logical3A_240 : vector<4096x128xi32>
      %or3A_242 = arith.ori %shift_left3A_238, %shift_right_logical3A_241 : vector<4096x128xi32>
      %xor3A_243 = arith.xori %or3A_242, %add3A_235 : vector<4096x128xi32>
      %add3A_244 = arith.constant 466689008 : i32
      %add3A_245 = vector.broadcast %add3A_244 : i32 to vector<4096x128xi32>
      %add3A_246 = arith.addi %add3A_235, %add3A_245 : vector<4096x128xi32>
      %add3A_247 = arith.constant 5 : i32
      %add3A_248 = vector.broadcast %add3A_247 : i32 to vector<4096x128xi32>
      %add3A_249 = arith.addi %xor3A_243, %add3A_248 : vector<4096x128xi32>
      %xor3A_250 = arith.xori %add3A_246, %add3A_249 : vector<4096x128xi32>
      %shift_right_logical3A_251 = arith.constant 9 : i32
      %shift_right_logical3A_252 = vector.broadcast %shift_right_logical3A_251 : i32 to vector<4096x128xi32>
      %shift_right_logical3A_253 = arith.shrui %xor3A_250, %shift_right_logical3A_252 : vector<4096x128xi32>
      %or3A_254 = arith.constant 1065353216 : i32
      %or3A_255 = vector.broadcast %or3A_254 : i32 to vector<4096x128xi32>
      %or3A_256 = arith.ori %shift_right_logical3A_253, %or3A_255 : vector<4096x128xi32>
      %bitcast_convert_type3A = tpu.bitcast %or3A_256 : vector<4096x128xi32> -> vector<4096x128xf32>
      %sub3A = arith.constant 1.000000e+00 : f32
      %sub3A_257 = vector.broadcast %sub3A : f32 to vector<4096x128xf32>
      %sub3A_258 = arith.subf %bitcast_convert_type3A, %sub3A_257 : vector<4096x128xf32>
      %max3A = arith.constant 1.17549435E-38 : f32
      %max3A_259 = vector.broadcast %max3A : f32 to vector<4096x128xf32>
      %max3A_260 = arith.maximumf %sub3A_258, %max3A_259 : vector<4096x128xf32>
      %log3A = math.log %max3A_260 : vector<4096x128xf32>
      %neg3A = arith.constant 0.000000e+00 : f32
      %neg3A_261 = vector.broadcast %neg3A : f32 to vector<4096x128xf32>
      %neg3A_262 = arith.subf %neg3A_261, %log3A : vector<4096x128xf32>
      %log3A_263 = math.log %neg3A_262 : vector<4096x128xf32>
      %neg3A_264 = arith.constant 0.000000e+00 : f32
      %neg3A_265 = vector.broadcast %neg3A_264 : f32 to vector<4096x128xf32>
      %neg3A_266 = arith.subf %neg3A_265, %log3A_263 : vector<4096x128xf32>
      %iota3A = tpu.iota {dimensions = array<i32: 1>} : vector<4096x128xi32>
      %mul3A_267 = arith.constant 128 : i32
      %mul3A_268 = arith.muli %arg1, %mul3A_267 : i32
      %sub3A_269 = arith.subi %get3A_1, %mul3A_268 : i32
      %lt3A_270 = vector.broadcast %sub3A_269 : i32 to vector<4096x128xi32>
      %lt3A_271 = arith.cmpi slt, %iota3A, %lt3A_270 : vector<4096x128xi32>
      %jit3A = arith.constant 0xFF800000 : f32
      %broadcast_in_dim3A = vector.broadcast %jit3A : f32 to vector<4096x128xf32>
      %select_n3A = arith.select %lt3A_271, %neg3A_266, %broadcast_in_dim3A : vector<4096x128xi1>, vector<4096x128xf32>
      %reduce_max3A = arith.constant dense<0xFF800000> : vector<4096xf32>
      %reduce_max3A_272 = vector.multi_reduction <maximumf>, %select_n3A, %reduce_max3A [1] : vector<4096x128xf32> to vector<4096xf32>
      %broadcast_in_dim3A_273 = vector.shape_cast %reduce_max3A_272 : vector<4096xf32> to vector<4096x1xf32>
      %reshape3A_274 = vector.shape_cast %get3A_34 : vector<128xi32> to vector<1x128xi32>
      %broadcast_in_dim3A_275 = vector.shape_cast %reshape3A_274 : vector<1x128xi32> to vector<1x128xi32>
      %broadcast_in_dim3A_276 = vector.broadcast %broadcast_in_dim3A_275 : vector<1x128xi32> to vector<4096x128xi32>
      %eq3A_277 = vector.broadcast %broadcast_in_dim3A_273 : vector<4096x1xf32> to vector<4096x128xf32>
      %eq3A_278 = arith.cmpf oeq, %select_n3A, %eq3A_277 : vector<4096x128xf32>
      %jit3A_279 = arith.constant 1024 : i32
      %broadcast_in_dim3A_280 = vector.broadcast %jit3A_279 : i32 to vector<4096x128xi32>
      %select_n3A_281 = arith.select %eq3A_278, %broadcast_in_dim3A_276, %broadcast_in_dim3A_280 : vector<4096x128xi1>, vector<4096x128xi32>
      %reduce_min3A = arith.constant dense<2147483647> : vector<4096xi32>
      %reduce_min3A_282 = vector.multi_reduction <minsi>, %select_n3A_281, %reduce_min3A [1] : vector<4096x128xi32> to vector<4096xi32>
      %broadcast_in_dim3A_283 = vector.shape_cast %reduce_min3A_282 : vector<4096xi32> to vector<4096x1xi32>
      %get3A_284 = arith.constant 0 : index
      %get3A_285 = arith.constant 0 : index
      %get3A_286 = vector.load %arg6[%get3A_284, %get3A_285] : memref<4096x1xf32, #tpu.memory_space<vmem>>, vector<4096x1xf32>
      %gt3A = arith.cmpf ogt, %broadcast_in_dim3A_273, %get3A_286 : vector<4096x1xf32>
      %select_n3A_287 = arith.select %gt3A, %broadcast_in_dim3A_273, %get3A_286 : vector<4096x1xi1>, vector<4096x1xf32>
      %swap3A = arith.constant 0 : index
      %swap3A_288 = arith.constant 0 : index
      %swap3A_289 = vector.load %arg6[%swap3A, %swap3A_288] : memref<4096x1xf32, #tpu.memory_space<vmem>>, vector<4096x1xf32>
      tpu.vector_store %arg6[%swap3A, %swap3A_288], %select_n3A_287 {strides = array<i32>} : memref<4096x1xf32, #tpu.memory_space<vmem>>, vector<4096x1xf32>,
      %get3A_290 = arith.constant 0 : index
      %get3A_291 = arith.constant 0 : index
      %get3A_292 = vector.load %arg7[%get3A_290, %get3A_291] : memref<4096x1xi32, #tpu.memory_space<vmem>>, vector<4096x1xi32>
      %select_n3A_293 = arith.select %gt3A, %broadcast_in_dim3A_283, %get3A_292 : vector<4096x1xi1>, vector<4096x1xi32>
      %swap3A_294 = arith.constant 0 : index
      %swap3A_295 = arith.constant 0 : index
      %swap3A_296 = vector.load %arg7[%swap3A_294, %swap3A_295] : memref<4096x1xi32, #tpu.memory_space<vmem>>, vector<4096x1xi32>
      tpu.vector_store %arg7[%swap3A_294, %swap3A_295], %select_n3A_293 {strides = array<i32>} : memref<4096x1xi32, #tpu.memory_space<vmem>>, vector<4096x1xi32>,
    } else {
    }
    %eq3A_23 = arith.constant 7 : i32
    %eq3A_24 = arith.cmpi eq, %arg1, %eq3A_23 : i32
    %convert_element_type3A_25 = arith.extui %eq3A_24 : i1 to i32
    %cond3A_26 = arith.constant 0 : i32
    %cond3A_27 = arith.cmpi ne, %convert_element_type3A_25, %cond3A_26 : i32
    scf.if %cond3A_27 {
      %get3A_28 = arith.constant 0 : index
      %get3A_29 = arith.constant 0 : index
      %get3A_30 = vector.load %arg7[%get3A_28, %get3A_29] : memref<4096x1xi32, #tpu.memory_space<vmem>>, vector<4096x1xi32>
      %reshape3A = vector.shape_cast %get3A_30 : vector<4096x1xi32> to vector<1024x4xi32>
      %get3A_31 = arith.constant 0 : index
      %get3A_32 = arith.constant 0 : index
      %get3A_33 = arith.constant 0 : index
      %get3A_34 = vector.load %arg4[%get3A_31, %get3A_32, %get3A_33] : memref<1x1x1024xi32, #tpu.memory_space<vmem>>, vector<1x1x1024xi32>
      %get3A_35 = vector.shape_cast %get3A_34 : vector<1x1x1024xi32> to vector<1024xi32>
      %reshape3A_36 = vector.shape_cast %get3A_35 : vector<1024xi32> to vector<1024x1xi32>
      %iota3A = tpu.iota {dimensions = array<i32: 1>} : vector<1024x4xi32>
      %iota3A_37 = tpu.iota {dimensions = array<i32: 0>} : vector<1024x4xi32>
      %mul3A_38 = arith.constant 4 : i32
      %mul3A_39 = vector.broadcast %mul3A_38 : i32 to vector<1024x4xi32>
      %mul3A_40 = arith.muli %iota3A_37, %mul3A_39 : vector<1024x4xi32>
      %add3A_41 = arith.addi %mul3A_40, %iota3A : vector<1024x4xi32>
      %jit3A = arith.constant 512 : i32
      %eq3A_42 = arith.constant 0 : i32
      %eq3A_43 = arith.cmpi eq, %jit3A, %eq3A_42 : i32
      %jit3A_44 = arith.constant 1 : i32
      %select_n3A = arith.select %eq3A_43, %jit3A_44, %jit3A : i32
      %rem3A = vector.broadcast %select_n3A : i32 to vector<1024x4xi32>
      %rem3A_45 = arith.remsi %add3A_41, %rem3A : vector<1024x4xi32>
      %ne3A = arith.constant 0 : i32
      %ne3A_46 = vector.broadcast %ne3A : i32 to vector<1024x4xi32>
      %ne3A_47 = arith.cmpi ne, %rem3A_45, %ne3A_46 : vector<1024x4xi32>
      %lt3A_48 = arith.constant 0 : i32
      %lt3A_49 = vector.broadcast %lt3A_48 : i32 to vector<1024x4xi32>
      %lt3A_50 = arith.cmpi slt, %rem3A_45, %lt3A_49 : vector<1024x4xi32>
      %lt3A_51 = arith.constant 0 : i32
      %lt3A_52 = arith.cmpi slt, %select_n3A, %lt3A_51 : i32
      %ne3A_53 = vector.broadcast %lt3A_52 : i1 to vector<1024x4xi1>
      %ne3A_54 = vector.broadcast %ne3A_53 : vector<1024x4xi1> to vector<1024x4xi1>
      %ne3A_55 = arith.xori %lt3A_50, %ne3A_54 : vector<1024x4xi1>
      %and3A_56 = arith.andi %ne3A_55, %ne3A_47 : vector<1024x4xi1>
      %add3A_57 = vector.broadcast %select_n3A : i32 to vector<1024x4xi32>
      %add3A_58 = arith.addi %rem3A_45, %add3A_57 : vector<1024x4xi32>
      %select_n3A_59 = arith.select %and3A_56, %add3A_58, %rem3A_45 : vector<1024x4xi1>, vector<1024x4xi32>
      %gt3A = arith.constant 0 : i32
      %gt3A_60 = vector.broadcast %gt3A : i32 to vector<1024x1xi32>
      %gt3A_61 = arith.cmpi sgt, %reshape3A_36, %gt3A_60 : vector<1024x1xi32>
      %mul3A_62 = arith.constant 1024 : i32
      %mul3A_63 = arith.muli %arg0, %mul3A_62 : i32
      %add3A_64 = vector.broadcast %mul3A_63 : i32 to vector<1024x4xi32>
      %add3A_65 = arith.addi %add3A_64, %reshape3A : vector<1024x4xi32>
      %add3A_66 = arith.constant 8192 : i32
      %add3A_67 = vector.broadcast %add3A_66 : i32 to vector<1024x4xi32>
      %add3A_68 = arith.addi %add3A_67, %select_n3A_59 : vector<1024x4xi32>
      %broadcast_in_dim3A = vector.shape_cast %gt3A_61 : vector<1024x1xi1> to vector<1024x1xi1>
      %broadcast_in_dim3A_69 = vector.broadcast %broadcast_in_dim3A : vector<1024x1xi1> to vector<1024x4xi1>
      %select_n3A_70 = arith.select %broadcast_in_dim3A_69, %add3A_65, %add3A_68 : vector<1024x4xi1>, vector<1024x4xi32>
      %swap3A = arith.constant 0 : index
      %swap3A_71 = arith.constant 0 : index
      %swap3A_72 = arith.constant 0 : index
      %swap3A_73 = vector.load %arg5[%swap3A, %swap3A_71, %swap3A_72] : memref<1x1024x4xi32, #tpu.memory_space<vmem>>, vector<1x1024x4xi32>
      %swap3A_74 = vector.shape_cast %swap3A_73 : vector<1x1024x4xi32> to vector<1024x4xi32>
      %swap3A_75 = vector.shape_cast %select_n3A_70 : vector<1024x4xi32> to vector<1x1024x4xi32>
      tpu.vector_store %arg5[%swap3A, %swap3A_71, %swap3A_72], %swap3A_75 {strides = array<i32>} : memref<1x1024x4xi32, #tpu.memory_space<vmem>>, vector<1x1024x4xi32>,
    } else {
    }
    return
  }
  func.func @transform_0(%arg0: i32, %arg1: i32) -> (i32, i32, i32) {
    %c0_i32 = arith.constant 0 : i32
    %c0_i32_0 = arith.constant 0 : i32
    %c0_i32_1 = arith.constant 0 : i32
    return %arg0, %c0_i32, %c0_i32_0 : i32, i32, i32
  }
  func.func @transform_1(%arg0: i32, %arg1: i32) -> (i32, i32) {
    %c0_i32 = arith.constant 0 : i32
    %c0_i32_0 = arith.constant 0 : i32
    %c0_i32_1 = arith.constant 0 : i32
    return %c0_i32, %c0_i32_0 : i32, i32
  }
  func.func @transform_2(%arg0: i32, %arg1: i32) -> (i32, i32, i32) {
    %c0_i32 = arith.constant 0 : i32
    %c0_i32_0 = arith.constant 0 : i32
    %c0_i32_1 = arith.constant 0 : i32
    return %arg0, %c0_i32, %c0_i32_0 : i32, i32, i32
  }
  func.func @transform_3(%arg0: i32, %arg1: i32) -> (i32, i32, i32) {
    %c0_i32 = arith.constant 0 : i32
    %c0_i32_0 = arith.constant 0 : i32
    %c0_i32_1 = arith.constant 0 : i32
    return %arg0, %c0_i32, %c0_i32_0 : i32, i32, i32
  }
}

</mosaic_0001>

<sc_bundles>
// kernel: kernel.4.cloned.1.call-start
scs
__scs_entry_jumppad:
0x0: {  	(pc) =	sbr.rel $0x88, $3  }
0x1: {  	(tag) =	ssettag $0x0;
	lr =	simm.s32 $0x1  }
0x2: {  	[smem:$0x3F9E] =	sst lr;
	_ =	strace $0xD0000000  }
0x3: {  	_ = 	snop  }
0x4: {  	_ = 	snop  }
0x5: {  	_ = 	snop  }
0x6: {  	_ = 	snop  }
0x7: {  	_ = 	snop  }
__scs_overlays_trampoline_lowered:
0x8: {  	[smem:$0x3FAD] =	sst s0  }
0x9: {  	[smem:$0x3FAE] =	sst s1  }
0xa: {  	[smem:$0x3FAF] =	sst s2  }
0xb: {  	[smem:$0x3FB0] =	sst s3  }
0xc: {  	[smem:$0x3FB1] =	sst s4  }
0xd: {  	[smem:$0x3FB2] =	sst s5  }
0xe: {  	[smem:$0x3FB3] =	sst s6  }
0xf: {  	[smem:$0x3FB4] =	sst s7  }
0x10: {  	[smem:$0x3FB5] =	sst s8  }
0x11: {  	[smem:$0x3FB6] =	sst s9;
	s0 =	simm.s32 @!p0 $0x0  }
0x12: {  	s1 =	sld [smem:$0x3F9C];
	s0 =	simm.s32 @p0 $0x1  }
0x13: {  	[smem:$0x3FB7] =	sst s0;
	s0 =	simm.s32 @!p1 $0x0  }
0x14: {  	s2 =	sld [smem:$0x3F9B];
	s0 =	simm.s32 @p1 $0x1  }
0x15: {  	[smem:$0x3FB8] =	sst s0;
	s0 =	simm.s32 @!p2 $0x0  }
0x16: {  	s3 =	sld [smem:$0x3FDB];
	s0 =	simm.s32 @p2 $0x1  }
0x17: {  	s4 =	simm.s32 $0x1BF5;
	[smem:$0x3FBA] =	sst s0  }
0x18: {  	s0 =	sld [smem:$0x3F9D];
	_ =	swait.ge [sflag:s4], $0x0  }
0x19: {  	s7 =	sld [smem:$0x3F9E]  }
0x1a: {  	s8 =	sadd.s32 $0xFFFFE003, lr  }
0x1b: {  	s9 =	sadd.s32 $0xFFFFFEF7, lr;
	s5 =	simm.s32 $0xFFFFFFFF;
	p2 =	slt.u32 s8, $0xFFFFF086  }
0x1c: {  	p1 =	slt.u32 s9, $0xF7A;
	s5 =	simm.s32 @!p2 $0x0  }
0x1d: {  	s5 =	simm.s32 @p1 $0x1;
	p0 =	seq.s32 s7, s2  }
0x1e: {  	s7 =	smul.u32 @!p0 $0xF7A, s2;
	p2 =	seq.s32 @!p0 s5, $0x0  }
0x1f: {  	s9 =	smul.u32 $0xF7A, s1;
	s8 =	simm.s32 @!p0 $0x1BF5;
	p2 =	por !p2, p0  }
0x20: {  	[sflag:s8] =	ssyncset.s32 @!p0 $0xFFFFF086;
	s6 =	sadd.s32 @!p0 s3, s7;
	s7 =	simm.s32 @!p0 $0x108  }
0x21: {  	s3 =	sadd.s32 s3, s9;
	s6 =	sadd.s32 @!p0 $0x88, s6;
	s7 =	simm.s32 @p2 $0x1082  }
0x22: {  	[simem:s7], [sflag:s8] =	dma.local @!p0 [hbm:s6], $0xF7A  }
0x23: {  	s9 =	sor.u32 $0xD0000000, s2;
	s6 =	simm.s32 $0x108;
	_ =	swait.ge @!p0 [sflag:s8], $0x0  }
0x24: {  	s3 =	sadd.s32 $0x88, s3;
	s6 =	simm.s32 @!p1 $0x1082;
	[sflag:s4] =	ssyncset.s32 $0xFFFFF086  }
0x25: {  	[simem:s6], [sflag:s4] =	dma.local [hbm:s3], $0xF7A  }
0x26: {  	[smem:$0x3F9E] =	sst s1;
	(tag) =	ssettag s2;
	_ =	strace s9  }
0x27: {  	s1 =	sld [smem:$0x3FAE]  }
0x28: {  	s2 =	sld [smem:$0x3FAF]  }
0x29: {  	s4 =	sld [smem:$0x3FB1]  }
0x2a: {  	p0 =	seq.s32 s5, $0x0;
	s5 =	sld [smem:$0x3FB2]  }
0x2b: {  	s6 =	sld [smem:$0x3FB3]  }
0x2c: {  	s7 =	sld [smem:$0x3FB4]  }
0x2d: {  	s3 =	simm.s32 $0x108;
	s8 =	sld [smem:$0x3FB5]  }
0x2e: {  	s3 =	simm.s32 @!p0 $0x1082;
	s9 =	sld [smem:$0x3FB6]  }
0x2f: {  	lr =	sadd.s32 s0, s3;
	s0 =	sld [smem:$0x3FAD]  }
0x30: {  	s3 =	sld [smem:$0x3FB0]  }
0x31: {  	[smem:$0x3FB9] =	sst s10  }
0x32: {  	s10 =	sld [smem:$0x3FB7];
	_ =	sdelay $0x3  }
0x33: {  	p0 =	seq.s32 s10, $0x1;
	s10 =	sld [smem:$0x3FB9];
	_ =	sdelay $0x3  }
0x34: {  	[smem:$0x3FB9] =	sst s10  }
0x35: {  	s10 =	sld [smem:$0x3FB8];
	_ =	sdelay $0x3  }
0x36: {  	p1 =	seq.s32 s10, $0x1;
	s10 =	sld [smem:$0x3FB9];
	_ =	sdelay $0x3  }
0x37: {  	[smem:$0x3FB9] =	sst s10  }
0x38: {  	s10 =	sld [smem:$0x3FBA]  }
0x39: {  	_ = 	snop;
	(pc) =	sbr.ind lr, $3  }
0x3a: {  	_ = 	snop  }
0x3b: {  	_ = 	snop  }
0x3c: {  	p2 =	seq.s32 s10, $0x1;
	s10 =	sld [smem:$0x3FB9]  }
0x3d: {  	_ =	shalt  }
0x3e: {  	_ =	shalt  }
0x3f: {  	_ =	shalt  }
0x40: {  	_ =	shalt  }
0x41: {  	_ =	shalt  }
0x42: {  	_ =	shalt  }
0x43: {  	_ =	shalt  }
0x44: {  	_ =	shalt  }
0x45: {  	_ =	shalt  }
0x46: {  	_ =	shalt  }
0x47: {  	_ =	shalt  }
0x48: {  	_ =	shalt  }
0x49: {  	_ =	shalt  }
0x4a: {  	_ =	shalt  }
0x4b: {  	_ =	shalt  }
0x4c: {  	_ =	shalt  }
0x4d: {  	_ =	shalt  }
0x4e: {  	_ =	shalt  }
0x4f: {  	_ =	shalt  }
0x50: {  	_ =	shalt  }
0x51: {  	_ =	shalt  }
0x52: {  	_ =	shalt  }
0x53: {  	_ =	shalt  }
0x54: {  	_ =	shalt  }
0x55: {  	_ =	shalt  }
0x56: {  	_ =	shalt  }
0x57: {  	_ =	shalt  }
0x58: {  	_ =	shalt  }
0x59: {  	_ =	shalt  }
0x5a: {  	_ =	shalt  }
0x5b: {  	_ =	shalt  }
0x5c: {  	_ =	shalt  }
0x5d: {  	_ =	shalt  }
0x5e: {  	_ =	shalt  }
0x5f: {  	_ =	shalt  }
0x60: {  	_ =	shalt  }
0x61: {  	_ =	shalt  }
0x62: {  	_ =	shalt  }
0x63: {  	_ =	shalt  }
0x64: {  	_ =	shalt  }
0x65: {  	_ =	shalt  }
0x66: {  	_ =	shalt  }
0x67: {  	_ =	shalt  }
0x68: {  	_ =	shalt  }
0x69: {  	_ =	shalt  }
0x6a: {  	_ =	shalt  }
0x6b: {  	_ =	shalt  }
0x6c: {  	_ =	shalt  }
0x6d: {  	_ =	shalt  }
0x6e: {  	_ =	shalt  }
0x6f: {  	_ =	shalt  }
0x70: {  	_ =	shalt  }
0x71: {  	_ =	shalt  }
0x72: {  	_ =	shalt  }
0x73: {  	_ =	shalt  }
0x74: {  	_ =	shalt  }
0x75: {  	_ =	shalt  }
0x76: {  	_ =	shalt  }
0x77: {  	_ =	shalt  }
0x78: {  	_ =	shalt  }
0x79: {  	_ =	shalt  }
0x7a: {  	_ =	shalt  }
0x7b: {  	_ =	shalt  }
0x7c: {  	_ =	shalt  }
0x7d: {  	_ =	shalt  }
0x7e: {  	_ =	shalt  }
0x7f: {  	_ =	shalt  }
0x80: {  	_ =	shalt  }
0x81: {  	_ =	shalt  }
0x82: {  	_ =	shalt  }
0x83: {  	_ =	shalt  }
0x84: {  	_ =	shalt  }
0x85: {  	_ =	shalt  }
0x86: {  	_ =	shalt  }
0x87: {  	_ =	shalt  }
.Lfunc_end0:
.L_simem_size_0:
called_computation_lowered:
.L_overlay_start_0:
0x88: {  	s2 =	sld [smem:$0x3FD9]  }
0x89: {  	s3 =	sld [smem:$0x3FFE];
	_ =	sdelay $0x1  }
0x8a: {  	s1 =	srdreg.scid  }
0x8b: {  	s0 =	sand.u32 $0x1, s1  }
0x8c: {  	s14 =	sshll.u32 s0, $0xA;
	s2 =	sadd.s32 s3, s2  }
0x8d: {  	s2 =	sadd.s32 s2, s14  }
0x8e: {  	[smem:$0x3FC5] =	sst s2  }
0x8f: {  	_ = 	snop  }
0x90: {  	s2 =	sld [smem:$0x3FD0];
	_ =	sdelay $0x2  }
0x91: {  	s15 =	simm.s32 $0xA;
	s4 =	simm.s32 $0x10  }
0x92: {  	[smem:s4], [sflag:s15] =	dma.local [hbm:s2], $0x1  }
0x93: {  	_ =	swait.eq [sflag:s15], $0x1  }
0x94: {  	[sflag:s15] =	ssyncset.done $0x0  }
0x95: {  	s16 =	sld [smem:$0x10];
	[sflag:s15] =	ssyncadd.s32 $0xFFFFFFFF  }
0x96: {  	s17 =	sld [smem:$0x11];
	(tm) =	ssettm $0x1  }
0x97: {  	s18 =	sld [smem:$0x3FFB];
	_ =	sdelay $0x3  }
0x98: {  	_ =	strace s18  }
0x99: {  	s4 =	sld [smem:$0x3FFC];
	_ =	sdelay $0x3  }
0x9a: {  	_ =	strace s4  }
0x9b: {  	s4 =	sld [smem:$0x3FFD];
	_ =	sdelay $0x3  }
0x9c: {  	_ =	strace s4  }
0x9d: {  	_ =	strace $0x8FFFFFFF  }
0x9e: {  	s19 =	sld [smem:$0x3FDB];
	_ =	sdelay $0x1  }
0x9f: {  	s5 =	simm.s32 $_scs_section_size  }
0xa0: {  	s6 =	simm.s32 $_size__tile_overlayer_lowered;
	s7 =	simm.s32 $_tile_overlayer_lowered  }
0xa1: {  	s22 =	simm.s32 $0x1BFF;
	s21 =	sshll.u32 s7, $0x1;
	s4 =	sadd.s32 s5, s19  }
0xa2: {  	s8 =	simm.s32 $0x0;
	s20 =	sshll.u32 s6, $0x1;
	s6 =	sadd.s32 s21, s4  }
0xa3: {  	[timem:s8], [sflag:s22] =	dma.local [hbm:s6], s20  }
0xa4: {  	_ =	swait.ge [sflag:s22], s20  }
0xa5: {  	s5 =	ssub.s32 $0x0, s20;
	[sflag:s22] =	ssyncset.done $0x0  }
0xa6: {  	[sflag:s22] =	ssyncadd.s32 s5;
	_ =	sdelay $0x1  }
0xa7: {  	s23 =	simm.s32 $0x1B8B  }
0xa8: {  	_ =	swait.ge [sflag:s23], $0x1  }
0xa9: {  	[sflag:s23] =	ssyncset.done $0x0  }
0xaa: {  	s25 =	simm.s32 $0x1B8E;
	s24 =	sld [smem:$0x3FFE];
	[sflag:s23] =	ssyncadd.s32 $0xFFFFFFFF  }
0xab: {  	s26 =	simm.s32 $execute0_lowered;
	[smem:$0x3FD2] =	sst s25  }
0xac: {  	s6 =	sshll.u32 s26, $0x1;
	_ =	strace $0x80000046;
	[dreg:$0x1] =	wrdreg $0xFFFFFFFF  }
0xad: {  	s28 =	simm.s32 $_size_execute0_lowered;
	s4 =	sadd.s32 s4, s6;
	[dreg:$0x0] =	wrdreg $0x0  }
0xae: {  	s6 =	sshll.u32 s28, $0x1;
	[dreg:$0x2] =	wrdreg s4  }
0xaf: {  	[dreg:$0x3] =	wrdreg s6  }
0xb0: {  	[dreg:$0x4] =	wrdreg $0xC0  }
0xb1: {  	_ =	task [dreg:s8], $0x5FFFF  }
0xb2: {  	[dreg:$0x1] =	wrdreg $0xFFFFFFFF  }
0xb3: {  	[dreg:$0x0] =	wrdreg $0x60  }
0xb4: {  	[dreg:$0x2] =	wrdreg s24  }
0xb5: {  	[dreg:$0x3] =	wrdreg s16  }
0xb6: {  	[dreg:$0x4] =	wrdreg s17  }
0xb7: {  	[dreg:$0x5] =	wrdreg $0x9  }
0xb8: {  	_ =	task.clear_ibuf [dreg:s8], $0x6FFFF;
	_ =	strace $0x90000046  }
0xb9: {  	s29 =	simm.s32 $0x9;
	_ =	strace $0x80000048  }
0xba: {  	_ =	swait.ge [sflag:s29], $0x1  }
0xbb: {  	[sflag:s29] =	ssyncadd.s32 $0xFFFFFFFF  }
0xbc: {  	_ =	strace $0x90000048  }
0xbd: {  	_ =	sfence  }
0xbe: {  	s30 =	sld [smem:$0x0];
	_ =	sdelay $0x2  }
0xbf: {  	s31 =	sshll.u32 s1, $0xD;
	s1 =	sshrl.u32 s1, $0x2  }
0xc0: {  	s3 =	sand.u32 $0x4000, s31;
	s1 =	sadd.s32 s1, s30  }
0xc1: {  	s0 =	sor.u32 s3, s0;
	s1 =	sshll.u32 s1, $0x11  }
0xc2: {  	s0 =	sor.u32 s1, s0  }
0xc3: {  	s0 =	sadd.s32 $0x8F2B, s0  }
0xc4: {  	[sflag:s0] =	ssyncadd.remote.s32 $0x1  }
0xc5: {  	_ =	sfence.sel $0xFFFF  }
0xc6: {  	[dreg:$0x0] =	wrdreg $0xFFFFFFFF;
	(pc) =	sbr.abs _section_cstart, $3  }
0xc7: {  	[dreg:$0x1] =	wrdreg $0xFFFFFFFF  }
0xc8: {  	_ =	task.clear_ibuf [dreg:s8], $0x2FFFF;
	_ =	strace $0x9FFFFFFF  }
0xc9: {  	(tm) =	ssettm $0x7FFFFFFF  }
tec
execute0_lowered:
.L_overlay_start_1:
0x0: {  	(tag) =	ssettag $0x1  }
0x1: {  	s0 =	rddreg [dreg:$0x0]  }
0x2: {  	s1 =	srdreg.scid;
	s4 =	rddreg [dreg:$0x1]  }
0x3: {  	s2 =	stileid.u32;
	s5 =	rddreg [dreg:$0x2]  }
0x4: {  	s14 =	simm.s32 $0x10100;
	s15 =	simm.s32 $0x1;
	s16 =	simm.s32 $0x2  }
0x5: {  	s1 =	sand.u32 $0x1, s1;
	s3 =	sshll.u32 s2, $0xB;
	s2 =	simm.s32 $0x0  }
0x6: {  	s28 =	sadd.s32 $0x1000, s0;
	s6 =	sshll.u32 s1, $0xA;
	[smem:$0x7FF] =	sst s2  }
0x7: {  	s1 =	ssub.s32 $0x2, s1;
	s6 =	sor.u32 s6, s3;
	_ =	strace $0x80000047  }
0x8: {  	s3 =	sshrl.u32 s6, $0x3;
	s17 =	sshll.u32 s6, $0x5;
	s7 =	sshll.u32 s6, $0x4  }
0x9: {  	s8 =	sor.u32 $0x100, s6;
	s9 =	sor.u32 $0x200, s6;
	s6 =	sor.u32 $0x300, s6  }
0xa: {  	s3 =	sadd.s32 s0, s3;
	s18 =	sadd.s32 s5, s7;
	s19 =	sshrl.u32 s8, $0x3  }
0xb: {  	s20 =	sshll.u32 s8, $0x5;
	s8 =	sshll.u32 s8, $0x4;
	[dreg:$0x4] =	wrdreg s3  }
0xc: {  	s22 =	sshrl.u32 s9, $0x3;
	s3 =	sadd.s32 s4, s17;
	[dreg:$0x6] =	wrdreg s18  }
0xd: {  	s25 =	sshll.u32 s9, $0x5;
	s7 =	sadd.s32 s0, s19;
	[dreg:$0x5] =	wrdreg s3  }
0xe: {  	s9 =	sshll.u32 s9, $0x4;
	s21 =	sadd.s32 s5, s8;
	[dreg:$0x7] =	wrdreg s7  }
0xf: {  	s29 =	sshrl.u32 s6, $0x3;
	s23 =	sadd.s32 s0, s22;
	[dreg:$0x9] =	wrdreg s21  }
0x10: {  	s31 =	sshll.u32 s6, $0x5;
	s26 =	sadd.s32 s5, s9;
	[dreg:$0xa] =	wrdreg s23  }
0x11: {  	s6 =	sshll.u32 s6, $0x4;
	s30 =	sadd.s32 s0, s29;
	[dreg:$0xc] =	wrdreg s26  }
0x12: {  	s24 =	sshrl.u32 s1, $0x1;
	s5 =	sadd.s32 s5, s6;
	[dreg:$0xd] =	wrdreg s30  }
0x13: {  	s1 =	ssub.s32 s1, s24;
	s7 =	sadd.s32 s4, s20;
	[dreg:$0xf] =	wrdreg s5  }
0x14: {  	v2 =	vlaneseq.u32;
	s6 =	simm.s32 $0x3;
	[dreg:$0x8] =	wrdreg s7;
	s7 =	sadd.s32 s4, s25  }
0x15: {  	vm0 =	vmmov $0xffff;
	v1 =	vshrl.u32 v2, $0x3;
	s3 =	sadd.s32 $0x23000, s0;
	s4 =	sadd.s32 s4, s31;
	[dreg:$0xb] =	wrdreg s7  }
0x16: {  	v0 =	vand.u32 $0x7, v2;
	v2 =	vor.u32 $0x8, v2;
	v1 =	vmul.u32 $0x8, v1;
	s5 =	smax.u32 s1, $0x1;
	[dreg:$0xe] =	wrdreg s4;
	s7 =	simm.s32 $0x100  }
.LBB2_1:
0x17: {  	s17 =	rddreg [dreg:$0x4]  }
0x18: {  	[tilespmem:s2], [sflag:$0x3] =	stream.linear.gather [hbm4b:s17+s2], $0x100, $0x38;
	[tilespmem:$0x18100] =	vst v63  }
0x19: {  	_ =	swait.ge [sflag:s6], $0x100  }
0x1a: {  	[sflag:s6] =	ssyncset.done $0x0  }
0x1b: {  	[sflag:s6] =	ssyncadd.s32 $0xFFFFFF00  }
0x1c: {  	v3 =	vld [tilespmem:$0x0];
	_ =	sdelay $0x4  }
0x1d: {  	v4 =	vshll.u32 v3, $0x1  }
0x1e: {  	v3 =	vand.u32 $0x7, v3;
	v4 =	vand.u32 $0xFFFFFFF0, v4  }
0x1f: {  	v3 =	vor.u32 v3, v4  }
0x20: {  	v4 =	vperm.xlane v3, v0;
	_ =	sdelay $0x1  }
0x21: {  	v3 =	vperm.xlane v3, v2;
	v4 =	vadd.s32 v1, v4;
	_ =	sdelay $0x1  }
0x22: {  	v3 =	vadd.s32 v1, v3;
	_ =	sdelay $0x2  }
0x23: {  	[tilespmem:s7], [sflag:$0x1] =	stream.indirect_vreg.gather [hbm4b:s3+s2], $0x80, v4, vm0, $0xb8;
	[tilespmem:$0x18100] =	vst v63  }
0x24: {  	s0 =	simm.s32 $0x900  }
0x25: {  	[tilespmem:s0], [sflag:$0x1] =	stream.indirect_vreg.gather [hbm4b:s3+s2], $0x80, v3, vm0, $0xb8;
	[tilespmem:$0x18100] =	vst v63  }
0x26: {  	v3 =	vld [tilespmem:$0x10];
	_ =	sdelay $0x4  }
0x27: {  	v57 =	vshll.u32 v3, $0x1  }
0x28: {  	v3 =	vand.u32 $0x7, v3;
	v4 =	vand.u32 $0xFFFFFFF0, v57  }
0x29: {  	v3 =	vor.u32 v3, v4  }
0x2a: {  	v4 =	vperm.xlane v3, v0;
	_ =	sdelay $0x1  }
0x2b: {  	v3 =	vperm.xlane v3, v2;
	v4 =	vadd.s32 v1, v4;
	_ =	sdelay $0x1  }
0x2c: {  	v3 =	vadd.s32 v1, v3;
	_ =	sdelay $0x1  }
0x2d: {  	s1 =	simm.s32 $0x1100  }
0x2e: {  	[tilespmem:s1], [sflag:$0x1] =	stream.indirect_vreg.gather [hbm4b:s3+s2], $0x80, v4, vm0, $0xb8;
	[tilespmem:$0x18100] =	vst v63  }
0x2f: {  	s4 =	simm.s32 $0x1900  }
0x30: {  	[tilespmem:s4], [sflag:$0x1] =	stream.indirect_vreg.gather [hbm4b:s3+s2], $0x80, v3, vm0, $0xb8;
	[tilespmem:$0x18100] =	vst v63  }
0x31: {  	v3 =	vld [tilespmem:$0x20];
	_ =	sdelay $0x4  }
0x32: {  	v58 =	vshll.u32 v3, $0x1  }
0x33: {  	v3 =	vand.u32 $0x7, v3;
	v4 =	vand.u32 $0xFFFFFFF0, v58  }
0x34: {  	v3 =	vor.u32 v3, v4  }
0x35: {  	v4 =	vperm.xlane v3, v0;
	_ =	sdelay $0x1  }
0x36: {  	v3 =	vperm.xlane v3, v2;
	v4 =	vadd.s32 v1, v4;
	_ =	sdelay $0x1  }
0x37: {  	v3 =	vadd.s32 v1, v3;
	_ =	sdelay $0x1  }
0x38: {  	s8 =	simm.s32 $0x2100  }
0x39: {  	[tilespmem:s8], [sflag:$0x1] =	stream.indirect_vreg.gather [hbm4b:s3+s2], $0x80, v4, vm0, $0xb8;
	[tilespmem:$0x18100] =	vst v63  }
0x3a: {  	s9 =	simm.s32 $0x2900  }
0x3b: {  	[tilespmem:s9], [sflag:$0x1] =	stream.indirect_vreg.gather [hbm4b:s3+s2], $0x80, v3, vm0, $0xb8;
	[tilespmem:$0x18100] =	vst v63  }
0x3c: {  	v3 =	vld [tilespmem:$0x30];
	_ =	sdelay $0x4  }
0x3d: {  	v59 =	vshll.u32 v3, $0x1  }
0x3e: {  	v3 =	vand.u32 $0x7, v3;
	v4 =	vand.u32 $0xFFFFFFF0, v59  }
0x3f: {  	v3 =	vor.u32 v3, v4  }
0x40: {  	v4 =	vperm.xlane v3, v0;
	_ =	sdelay $0x1  }
0x41: {  	v3 =	vperm.xlane v3, v2;
	v4 =	vadd.s32 v1, v4;
	_ =	sdelay $0x1  }
0x42: {  	v3 =	vadd.s32 v1, v3;
	_ =	sdelay $0x1  }
0x43: {  	s10 =	simm.s32 $0x3100  }
0x44: {  	[tilespmem:s10], [sflag:$0x1] =	stream.indirect_vreg.gather [hbm4b:s3+s2], $0x80, v4, vm0, $0xb8;
	[tilespmem:$0x18100] =	vst v63  }
0x45: {  	s12 =	simm.s32 $0x3900  }
0x46: {  	[tilespmem:s12], [sflag:$0x1] =	stream.indirect_vreg.gather [hbm4b:s3+s2], $0x80, v3, vm0, $0xb8;
	[tilespmem:$0x18100] =	vst v63  }
0x47: {  	v3 =	vld [tilespmem:$0x40];
	_ =	sdelay $0x4  }
0x48: {  	v60 =	vshll.u32 v3, $0x1  }
0x49: {  	v3 =	vand.u32 $0x7, v3;
	v4 =	vand.u32 $0xFFFFFFF0, v60  }
0x4a: {  	v3 =	vor.u32 v3, v4  }
0x4b: {  	v4 =	vperm.xlane v3, v0;
	_ =	sdelay $0x1  }
0x4c: {  	v3 =	vperm.xlane v3, v2;
	v4 =	vadd.s32 v1, v4;
	_ =	sdelay $0x1  }
0x4d: {  	v3 =	vadd.s32 v1, v3;
	_ =	sdelay $0x1  }
0x4e: {  	s13 =	simm.s32 $0x4100  }
0x4f: {  	[tilespmem:s13], [sflag:$0x1] =	stream.indirect_vreg.gather [hbm4b:s3+s2], $0x80, v4, vm0, $0xb8;
	[tilespmem:$0x18100] =	vst v63  }
0x50: {  	s17 =	simm.s32 $0x4900  }
0x51: {  	[tilespmem:s17], [sflag:$0x1] =	stream.indirect_vreg.gather [hbm4b:s3+s2], $0x80, v3, vm0, $0xb8;
	[tilespmem:$0x18100] =	vst v63  }
0x52: {  	v3 =	vld [tilespmem:$0x50];
	_ =	sdelay $0x4  }
0x53: {  	v61 =	vshll.u32 v3, $0x1  }
0x54: {  	v3 =	vand.u32 $0x7, v3;
	v4 =	vand.u32 $0xFFFFFFF0, v61  }
0x55: {  	v3 =	vor.u32 v3, v4  }
0x56: {  	v4 =	vperm.xlane v3, v0;
	_ =	sdelay $0x1  }
0x57: {  	v3 =	vperm.xlane v3, v2;
	v4 =	vadd.s32 v1, v4;
	_ =	sdelay $0x1  }
0x58: {  	v3 =	vadd.s32 v1, v3;
	_ =	sdelay $0x1  }
0x59: {  	s18 =	simm.s32 $0x5100  }
0x5a: {  	[tilespmem:s18], [sflag:$0x1] =	stream.indirect_vreg.gather [hbm4b:s3+s2], $0x80, v4, vm0, $0xb8;
	[tilespmem:$0x18100] =	vst v63  }
0x5b: {  	s19 =	simm.s32 $0x5900  }
0x5c: {  	[tilespmem:s19], [sflag:$0x1] =	stream.indirect_vreg.gather [hbm4b:s3+s2], $0x80, v3, vm0, $0xb8;
	[tilespmem:$0x18100] =	vst v63  }
0x5d: {  	v3 =	vld [tilespmem:$0x60];
	_ =	sdelay $0x4  }
0x5e: {  	v62 =	vshll.u32 v3, $0x1  }
0x5f: {  	v3 =	vand.u32 $0x7, v3;
	v4 =	vand.u32 $0xFFFFFFF0, v62  }
0x60: {  	v3 =	vor.u32 v3, v4  }
0x61: {  	v4 =	vperm.xlane v3, v0;
	_ =	sdelay $0x1  }
0x62: {  	v3 =	vperm.xlane v3, v2;
	v4 =	vadd.s32 v1, v4;
	_ =	sdelay $0x1  }
0x63: {  	v3 =	vadd.s32 v1, v3;
	_ =	sdelay $0x1  }
0x64: {  	s20 =	simm.s32 $0x6100  }
0x65: {  	[tilespmem:s20], [sflag:$0x1] =	stream.indirect_vreg.gather [hbm4b:s3+s2], $0x80, v4, vm0, $0xb8;
	[tilespmem:$0x18100] =	vst v63  }
0x66: {  	s21 =	simm.s32 $0x6900  }
0x67: {  	[tilespmem:s21], [sflag:$0x1] =	stream.indirect_vreg.gather [hbm4b:s3+s2], $0x80, v3, vm0, $0xb8;
	[tilespmem:$0x18100] =	vst v63  }
0x68: {  	v3 =	vld [tilespmem:$0x70];
	_ =	sdelay $0x4  }
0x69: {  	v63 =	vshll.u32 v3, $0x1  }
0x6a: {  	v3 =	vand.u32 $0x7, v3;
	v4 =	vand.u32 $0xFFFFFFF0, v63  }
0x6b: {  	v3 =	vor.u32 v3, v4  }
0x6c: {  	v4 =	vperm.xlane v3, v0;
	_ =	sdelay $0x1  }
0x6d: {  	v3 =	vperm.xlane v3, v2;
	v4 =	vadd.s32 v1, v4;
	_ =	sdelay $0x1  }
0x6e: {  	v3 =	vadd.s32 v1, v3;
	_ =	sdelay $0x1  }
0x6f: {  	s22 =	simm.s32 $0x7100  }
0x70: {  	[tilespmem:s22], [sflag:$0x1] =	stream.indirect_vreg.gather [hbm4b:s3+s2], $0x80, v4, vm0, $0xb8;
	[tilespmem:$0x18100] =	vst v63  }
0x71: {  	s23 =	simm.s32 $0x7900  }
0x72: {  	[tilespmem:s23], [sflag:$0x1] =	stream.indirect_vreg.gather [hbm4b:s3+s2], $0x80, v3, vm0, $0xb8;
	[tilespmem:$0x18100] =	vst v63  }
0x73: {  	v3 =	vld [tilespmem:$0x80];
	_ =	sdelay $0x4  }
0x74: {  	v8 =	vshll.u32 v3, $0x1  }
0x75: {  	v3 =	vand.u32 $0x7, v3;
	v4 =	vand.u32 $0xFFFFFFF0, v8  }
0x76: {  	v3 =	vor.u32 v3, v4  }
0x77: {  	v4 =	vperm.xlane v3, v0;
	_ =	sdelay $0x1  }
0x78: {  	v3 =	vperm.xlane v3, v2;
	v4 =	vadd.s32 v1, v4;
	_ =	sdelay $0x1  }
0x79: {  	v3 =	vadd.s32 v1, v3;
	_ =	sdelay $0x1  }
0x7a: {  	s24 =	simm.s32 $0x8100  }
0x7b: {  	[tilespmem:s24], [sflag:$0x1] =	stream.indirect_vreg.gather [hbm4b:s3+s2], $0x80, v4, vm0, $0xb8;
	[tilespmem:$0x18100] =	vst v63  }
0x7c: {  	s25 =	simm.s32 $0x8900  }
0x7d: {  	[tilespmem:s25], [sflag:$0x1] =	stream.indirect_vreg.gather [hbm4b:s3+s2], $0x80, v3, vm0, $0xb8;
	[tilespmem:$0x18100] =	vst v63  }
0x7e: {  	v3 =	vld [tilespmem:$0x90];
	_ =	sdelay $0x4  }
0x7f: {  	v9 =	vshll.u32 v3, $0x1  }
0x80: {  	v3 =	vand.u32 $0x7, v3;
	v4 =	vand.u32 $0xFFFFFFF0, v9  }
0x81: {  	v3 =	vor.u32 v3, v4  }
0x82: {  	v4 =	vperm.xlane v3, v0;
	_ =	sdelay $0x1  }
0x83: {  	v3 =	vperm.xlane v3, v2;
	v4 =	vadd.s32 v1, v4;
	_ =	sdelay $0x1  }
0x84: {  	v3 =	vadd.s32 v1, v3;
	_ =	sdelay $0x1  }
0x85: {  	s26 =	simm.s32 $0x9100  }
0x86: {  	[tilespmem:s26], [sflag:$0x1] =	stream.indirect_vreg.gather [hbm4b:s3+s2], $0x80, v4, vm0, $0xb8;
	[tilespmem:$0x18100] =	vst v63  }
0x87: {  	s29 =	simm.s32 $0x9900  }
0x88: {  	[tilespmem:s29], [sflag:$0x1] =	stream.indirect_vreg.gather [hbm4b:s3+s2], $0x80, v3, vm0, $0xb8;
	[tilespmem:$0x18100] =	vst v63  }
0x89: {  	v3 =	vld [tilespmem:$0xA0];
	_ =	sdelay $0x4  }
0x8a: {  	v10 =	vshll.u32 v3, $0x1  }
0x8b: {  	v3 =	vand.u32 $0x7, v3;
	v4 =	vand.u32 $0xFFFFFFF0, v10  }
0x8c: {  	v3 =	vor.u32 v3, v4  }
0x8d: {  	v4 =	vperm.xlane v3, v0;
	_ =	sdelay $0x1  }
0x8e: {  	v3 =	vperm.xlane v3, v2;
	v4 =	vadd.s32 v1, v4;
	_ =	sdelay $0x1  }
0x8f: {  	v3 =	vadd.s32 v1, v3;
	_ =	sdelay $0x1  }
0x90: {  	s30 =	simm.s32 $0xA100  }
0x91: {  	[tilespmem:s30], [sflag:$0x1] =	stream.indirect_vreg.gather [hbm4b:s3+s2], $0x80, v4, vm0, $0xb8;
	[tilespmem:$0x18100] =	vst v63  }
0x92: {  	s31 =	simm.s32 $0xA900  }
0x93: {  	[tilespmem:s31], [sflag:$0x1] =	stream.indirect_vreg.gather [hbm4b:s3+s2], $0x80, v3, vm0, $0xb8;
	[tilespmem:$0x18100] =	vst v63  }
0x94: {  	v3 =	vld [tilespmem:$0xB0];
	_ =	sdelay $0x4  }
0x95: {  	v11 =	vshll.u32 v3, $0x1  }
0x96: {  	v3 =	vand.u32 $0x7, v3;
	v4 =	vand.u32 $0xFFFFFFF0, v11  }
0x97: {  	v3 =	vor.u32 v3, v4  }
0x98: {  	v4 =	vperm.xlane v3, v0;
	_ =	sdelay $0x1  }
0x99: {  	v3 =	vperm.xlane v3, v2;
	v4 =	vadd.s32 v1, v4;
	_ =	sdelay $0x1  }
0x9a: {  	v3 =	vadd.s32 v1, v3;
	_ =	sdelay $0x1  }
0x9b: {  	s0 =	simm.s32 $0xB100  }
0x9c: {  	[tilespmem:s0], [sflag:$0x1] =	stream.indirect_vreg.gather [hbm4b:s3+s2], $0x80, v4, vm0, $0xb8;
	[tilespmem:$0x18100] =	vst v63  }
0x9d: {  	s13 =	simm.s32 $0xB900  }
0x9e: {  	[tilespmem:s13], [sflag:$0x1] =	stream.indirect_vreg.gather [hbm4b:s3+s2], $0x80, v3, vm0, $0xb8;
	[tilespmem:$0x18100] =	vst v63  }
0x9f: {  	v3 =	vld [tilespmem:$0xC0];
	_ =	sdelay $0x4  }
0xa0: {  	v12 =	vshll.u32 v3, $0x1  }
0xa1: {  	v3 =	vand.u32 $0x7, v3;
	v4 =	vand.u32 $0xFFFFFFF0, v12  }
0xa2: {  	v3 =	vor.u32 v3, v4  }
0xa3: {  	v4 =	vperm.xlane v3, v0;
	_ =	sdelay $0x1  }
0xa4: {  	v3 =	vperm.xlane v3, v2;
	v4 =	vadd.s32 v1, v4;
	_ =	sdelay $0x1  }
0xa5: {  	v3 =	vadd.s32 v1, v3;
	_ =	sdelay $0x1  }
0xa6: {  	s18 =	simm.s32 $0xC100  }
0xa7: {  	[tilespmem:s18], [sflag:$0x1] =	stream.indirect_vreg.gather [hbm4b:s3+s2], $0x80, v4, vm0, $0xb8;
	[tilespmem:$0x18100] =	vst v63  }
0xa8: {  	s20 =	simm.s32 $0xC900  }
0xa9: {  	[tilespmem:s20], [sflag:$0x1] =	stream.indirect_vreg.gather [hbm4b:s3+s2], $0x80, v3, vm0, $0xb8;
	[tilespmem:$0x18100] =	vst v63  }
0xaa: {  	v3 =	vld [tilespmem:$0xD0];
	_ =	sdelay $0x4  }
0xab: {  	v13 =	vshll.u32 v3, $0x1  }
0xac: {  	v3 =	vand.u32 $0x7, v3;
	v4 =	vand.u32 $0xFFFFFFF0, v13  }
0xad: {  	v3 =	vor.u32 v3, v4  }
0xae: {  	v4 =	vperm.xlane v3, v0;
	_ =	sdelay $0x1  }
0xaf: {  	v3 =	vperm.xlane v3, v2;
	v4 =	vadd.s32 v1, v4;
	_ =	sdelay $0x1  }
0xb0: {  	v3 =	vadd.s32 v1, v3;
	_ =	sdelay $0x1  }
0xb1: {  	s21 =	simm.s32 $0xD100  }
0xb2: {  	[tilespmem:s21], [sflag:$0x1] =	stream.indirect_vreg.gather [hbm4b:s3+s2], $0x80, v4, vm0, $0xb8;
	[tilespmem:$0x18100] =	vst v63  }
0xb3: {  	s23 =	simm.s32 $0xD900  }
0xb4: {  	[tilespmem:s23], [sflag:$0x1] =	stream.indirect_vreg.gather [hbm4b:s3+s2], $0x80, v3, vm0, $0xb8;
	[tilespmem:$0x18100] =	vst v63  }
0xb5: {  	v3 =	vld [tilespmem:$0xE0];
	_ =	sdelay $0x4  }
0xb6: {  	v14 =	vshll.u32 v3, $0x1  }
0xb7: {  	v3 =	vand.u32 $0x7, v3;
	v4 =	vand.u32 $0xFFFFFFF0, v14  }
0xb8: {  	v3 =	vor.u32 v3, v4  }
0xb9: {  	v4 =	vperm.xlane v3, v0;
	_ =	sdelay $0x1  }
0xba: {  	v3 =	vperm.xlane v3, v2;
	v4 =	vadd.s32 v1, v4;
	_ =	sdelay $0x1  }
0xbb: {  	v3 =	vadd.s32 v1, v3;
	_ =	sdelay $0x1  }
0xbc: {  	s24 =	simm.s32 $0xE100  }
0xbd: {  	[tilespmem:s24], [sflag:$0x1] =	stream.indirect_vreg.gather [hbm4b:s3+s2], $0x80, v4, vm0, $0xb8;
	[tilespmem:$0x18100] =	vst v63  }
0xbe: {  	s25 =	simm.s32 $0xE900  }
0xbf: {  	[tilespmem:s25], [sflag:$0x1] =	stream.indirect_vreg.gather [hbm4b:s3+s2], $0x80, v3, vm0, $0xb8;
	[tilespmem:$0x18100] =	vst v63  }
0xc0: {  	v3 =	vld [tilespmem:$0xF0];
	_ =	sdelay $0x4  }
0xc1: {  	v15 =	vshll.u32 v3, $0x1  }
0xc2: {  	v3 =	vand.u32 $0x7, v3;
	v4 =	vand.u32 $0xFFFFFFF0, v15  }
0xc3: {  	v3 =	vor.u32 v3, v4  }
0xc4: {  	v4 =	vperm.xlane v3, v0;
	_ =	sdelay $0x1  }
0xc5: {  	v3 =	vperm.xlane v3, v2;
	v4 =	vadd.s32 v1, v4;
	_ =	sdelay $0x1  }
0xc6: {  	v3 =	vadd.s32 v1, v3;
	_ =	sdelay $0x1  }
0xc7: {  	s26 =	simm.s32 $0xF100  }
0xc8: {  	[tilespmem:s26], [sflag:$0x1] =	stream.indirect_vreg.gather [hbm4b:s3+s2], $0x80, v4, vm0, $0xb8;
	[tilespmem:$0x18100] =	vst v63  }
0xc9: {  	s29 =	simm.s32 $0xF900  }
0xca: {  	[tilespmem:s29], [sflag:$0x1] =	stream.indirect_vreg.gather [hbm4b:s3+s2], $0x80, v3, vm0, $0xb8;
	[tilespmem:$0x18100] =	vst v63  }
0xcb: {  	_ = 	snop  }
0xcc: {  	[tilespmem:s14], [sflag:$0x2] =	stream.indirect.gather [hbm4b:s28+s7], $0x80, s2, s7, $0xb8;
	[tilespmem:$0x18100] =	vst v63  }
0xcd: {  	_ =	swait.ge [sflag:s15], $0x10000  }
0xce: {  	[sflag:s15] =	ssyncset.done $0x0  }
0xcf: {  	s30 =	rddreg [dreg:$0x5];
	[sflag:s15] =	ssyncadd.s32 $0xFFFF0000  }
0xd0: {  	[hbm4b:s30+s2] =	stream.linear.scatter [tilespmem:s7], [sflag:$0x3], $0x10000, $0x38;
	[tilespmem:$0x18100] =	vst v63  }
0xd1: {  	_ =	swait.ge [sflag:s6], $0x10000  }
0xd2: {  	[sflag:s6] =	ssyncset.done $0x0  }
0xd3: {  	[sflag:s6] =	ssyncadd.s32 $0xFFFF0000  }
0xd4: {  	_ =	swait.ge [sflag:s16], $0x8000  }
0xd5: {  	[sflag:s16] =	ssyncset.done $0x0  }
0xd6: {  	s0 =	rddreg [dreg:$0x6];
	[sflag:s16] =	ssyncadd.s32 $0xFFFF8000  }
0xd7: {  	[hbm4b:s0+s2] =	stream.linear.scatter [tilespmem:s14], [sflag:$0x3], $0x8000, $0x38;
	[tilespmem:$0x18100] =	vst v63  }
0xd8: {  	_ =	swait.ge [sflag:s6], $0x8000  }
0xd9: {  	[sflag:s6] =	ssyncset.done $0x0  }
0xda: {  	s13 =	rddreg [dreg:$0x7];
	[sflag:s6] =	ssyncadd.s32 $0xFFFF8000  }
0xdb: {  	[tilespmem:s2], [sflag:$0x3] =	stream.linear.gather [hbm4b:s13+s2], $0x100, $0x38;
	[tilespmem:$0x18100] =	vst v63  }
0xdc: {  	_ =	swait.ge [sflag:s6], $0x100  }
0xdd: {  	[sflag:s6] =	ssyncset.done $0x0  }
0xde: {  	[sflag:s6] =	ssyncadd.s32 $0xFFFFFF00  }
0xdf: {  	v3 =	vld [tilespmem:$0x0];
	_ =	sdelay $0x4  }
0xe0: {  	v16 =	vshll.u32 v3, $0x1  }
0xe1: {  	v3 =	vand.u32 $0x7, v3;
	v4 =	vand.u32 $0xFFFFFFF0, v16  }
0xe2: {  	v3 =	vor.u32 v3, v4  }
0xe3: {  	v4 =	vperm.xlane v3, v0;
	_ =	sdelay $0x1  }
0xe4: {  	v3 =	vperm.xlane v3, v2;
	v4 =	vadd.s32 v1, v4;
	_ =	sdelay $0x1  }
0xe5: {  	v3 =	vadd.s32 v1, v3;
	_ =	sdelay $0x2  }
0xe6: {  	[tilespmem:s7], [sflag:$0x1] =	stream.indirect_vreg.gather [hbm4b:s3+s2], $0x80, v4, vm0, $0xb8;
	[tilespmem:$0x18100] =	vst v63  }
0xe7: {  	s11 =	simm.s32 $0x900  }
0xe8: {  	[tilespmem:s11], [sflag:$0x1] =	stream.indirect_vreg.gather [hbm4b:s3+s2], $0x80, v3, vm0, $0xb8;
	[tilespmem:$0x18100] =	vst v63  }
0xe9: {  	v3 =	vld [tilespmem:$0x10];
	_ =	sdelay $0x4  }
0xea: {  	v17 =	vshll.u32 v3, $0x1  }
0xeb: {  	v3 =	vand.u32 $0x7, v3;
	v4 =	vand.u32 $0xFFFFFFF0, v17  }
0xec: {  	v3 =	vor.u32 v3, v4  }
0xed: {  	v4 =	vperm.xlane v3, v0;
	_ =	sdelay $0x1  }
0xee: {  	v3 =	vperm.xlane v3, v2;
	v4 =	vadd.s32 v1, v4;
	_ =	sdelay $0x1  }
0xef: {  	v3 =	vadd.s32 v1, v3;
	_ =	sdelay $0x1  }
0xf0: {  	s1 =	simm.s32 $0x1100  }
0xf1: {  	[tilespmem:s1], [sflag:$0x1] =	stream.indirect_vreg.gather [hbm4b:s3+s2], $0x80, v4, vm0, $0xb8;
	[tilespmem:$0x18100] =	vst v63  }
0xf2: {  	s13 =	simm.s32 $0x1900  }
0xf3: {  	[tilespmem:s13], [sflag:$0x1] =	stream.indirect_vreg.gather [hbm4b:s3+s2], $0x80, v3, vm0, $0xb8;
	[tilespmem:$0x18100] =	vst v63  }
0xf4: {  	v3 =	vld [tilespmem:$0x20];
	_ =	sdelay $0x4  }
0xf5: {  	v18 =	vshll.u32 v3, $0x1  }
0xf6: {  	v3 =	vand.u32 $0x7, v3;
	v4 =	vand.u32 $0xFFFFFFF0, v18  }
0xf7: {  	v3 =	vor.u32 v3, v4  }
0xf8: {  	v4 =	vperm.xlane v3, v0;
	_ =	sdelay $0x1  }
0xf9: {  	v3 =	vperm.xlane v3, v2;
	v4 =	vadd.s32 v1, v4;
	_ =	sdelay $0x1  }
0xfa: {  	v3 =	vadd.s32 v1, v3;
	_ =	sdelay $0x1  }
0xfb: {  	s4 =	simm.s32 $0x2100  }
0xfc: {  	[tilespmem:s4], [sflag:$0x1] =	stream.indirect_vreg.gather [hbm4b:s3+s2], $0x80, v4, vm0, $0xb8;
	[tilespmem:$0x18100] =	vst v63  }
0xfd: {  	s29 =	simm.s32 $0x2900  }
0xfe: {  	[tilespmem:s29], [sflag:$0x1] =	stream.indirect_vreg.gather [hbm4b:s3+s2], $0x80, v3, vm0, $0xb8;
	[tilespmem:$0x18100] =	vst v63  }
0xff: {  	v3 =	vld [tilespmem:$0x30];
	_ =	sdelay $0x4  }
0x100: {  	v19 =	vshll.u32 v3, $0x1  }
0x101: {  	v3 =	vand.u32 $0x7, v3;
	v4 =	vand.u32 $0xFFFFFFF0, v19  }
0x102: {  	v3 =	vor.u32 v3, v4  }
0x103: {  	v4 =	vperm.xlane v3, v0;
	_ =	sdelay $0x1  }
0x104: {  	v3 =	vperm.xlane v3, v2;
	v4 =	vadd.s32 v1, v4;
	_ =	sdelay $0x1  }
0x105: {  	v3 =	vadd.s32 v1, v3;
	_ =	sdelay $0x1  }
0x106: {  	s8 =	simm.s32 $0x3100  }
0x107: {  	[tilespmem:s8], [sflag:$0x1] =	stream.indirect_vreg.gather [hbm4b:s3+s2], $0x80, v4, vm0, $0xb8;
	[tilespmem:$0x18100] =	vst v63  }
0x108: {  	s12 =	simm.s32 $0x3900  }
0x109: {  	[tilespmem:s12], [sflag:$0x1] =	stream.indirect_vreg.gather [hbm4b:s3+s2], $0x80, v3, vm0, $0xb8;
	[tilespmem:$0x18100] =	vst v63  }
0x10a: {  	v3 =	vld [tilespmem:$0x40];
	_ =	sdelay $0x4  }
0x10b: {  	v20 =	vshll.u32 v3, $0x1  }
0x10c: {  	v3 =	vand.u32 $0x7, v3;
	v4 =	vand.u32 $0xFFFFFFF0, v20  }
0x10d: {  	v3 =	vor.u32 v3, v4  }
0x10e: {  	v4 =	vperm.xlane v3, v0;
	_ =	sdelay $0x1  }
0x10f: {  	v3 =	vperm.xlane v3, v2;
	v4 =	vadd.s32 v1, v4;
	_ =	sdelay $0x1  }
0x110: {  	v3 =	vadd.s32 v1, v3;
	_ =	sdelay $0x1  }
0x111: {  	s9 =	simm.s32 $0x4100  }
0x112: {  	[tilespmem:s9], [sflag:$0x1] =	stream.indirect_vreg.gather [hbm4b:s3+s2], $0x80, v4, vm0, $0xb8;
	[tilespmem:$0x18100] =	vst v63  }
0x113: {  	s30 =	simm.s32 $0x4900  }
0x114: {  	[tilespmem:s30], [sflag:$0x1] =	stream.indirect_vreg.gather [hbm4b:s3+s2], $0x80, v3, vm0, $0xb8;
	[tilespmem:$0x18100] =	vst v63  }
0x115: {  	v3 =	vld [tilespmem:$0x50];
	_ =	sdelay $0x4  }
0x116: {  	v21 =	vshll.u32 v3, $0x1  }
0x117: {  	v3 =	vand.u32 $0x7, v3;
	v4 =	vand.u32 $0xFFFFFFF0, v21  }
0x118: {  	v3 =	vor.u32 v3, v4  }
0x119: {  	v4 =	vperm.xlane v3, v0;
	_ =	sdelay $0x1  }
0x11a: {  	v3 =	vperm.xlane v3, v2;
	v4 =	vadd.s32 v1, v4;
	_ =	sdelay $0x1  }
0x11b: {  	v3 =	vadd.s32 v1, v3;
	_ =	sdelay $0x1  }
0x11c: {  	s10 =	simm.s32 $0x5100  }
0x11d: {  	[tilespmem:s10], [sflag:$0x1] =	stream.indirect_vreg.gather [hbm4b:s3+s2], $0x80, v4, vm0, $0xb8;
	[tilespmem:$0x18100] =	vst v63  }
0x11e: {  	s24 =	simm.s32 $0x5900  }
0x11f: {  	[tilespmem:s24], [sflag:$0x1] =	stream.indirect_vreg.gather [hbm4b:s3+s2], $0x80, v3, vm0, $0xb8;
	[tilespmem:$0x18100] =	vst v63  }
0x120: {  	v3 =	vld [tilespmem:$0x60];
	_ =	sdelay $0x4  }
0x121: {  	v22 =	vshll.u32 v3, $0x1  }
0x122: {  	v3 =	vand.u32 $0x7, v3;
	v4 =	vand.u32 $0xFFFFFFF0, v22  }
0x123: {  	v3 =	vor.u32 v3, v4  }
0x124: {  	v4 =	vperm.xlane v3, v0;
	_ =	sdelay $0x1  }
0x125: {  	v3 =	vperm.xlane v3, v2;
	v4 =	vadd.s32 v1, v4;
	_ =	sdelay $0x1  }
0x126: {  	v3 =	vadd.s32 v1, v3;
	_ =	sdelay $0x1  }
0x127: {  	s12 =	simm.s32 $0x6100  }
0x128: {  	[tilespmem:s12], [sflag:$0x1] =	stream.indirect_vreg.gather [hbm4b:s3+s2], $0x80, v4, vm0, $0xb8;
	[tilespmem:$0x18100] =	vst v63  }
0x129: {  	s26 =	simm.s32 $0x6900  }
0x12a: {  	[tilespmem:s26], [sflag:$0x1] =	stream.indirect_vreg.gather [hbm4b:s3+s2], $0x80, v3, vm0, $0xb8;
	[tilespmem:$0x18100] =	vst v63  }
0x12b: {  	v3 =	vld [tilespmem:$0x70];
	_ =	sdelay $0x4  }
0x12c: {  	v23 =	vshll.u32 v3, $0x1  }
0x12d: {  	v3 =	vand.u32 $0x7, v3;
	v4 =	vand.u32 $0xFFFFFFF0, v23  }
0x12e: {  	v3 =	vor.u32 v3, v4  }
0x12f: {  	v4 =	vperm.xlane v3, v0;
	_ =	sdelay $0x1  }
0x130: {  	v3 =	vperm.xlane v3, v2;
	v4 =	vadd.s32 v1, v4;
	_ =	sdelay $0x1  }
0x131: {  	v3 =	vadd.s32 v1, v3;
	_ =	sdelay $0x1  }
0x132: {  	s0 =	simm.s32 $0x7100  }
0x133: {  	[tilespmem:s0], [sflag:$0x1] =	stream.indirect_vreg.gather [hbm4b:s3+s2], $0x80, v4, vm0, $0xb8;
	[tilespmem:$0x18100] =	vst v63  }
0x134: {  	s9 =	simm.s32 $0x7900  }
0x135: {  	[tilespmem:s9], [sflag:$0x1] =	stream.indirect_vreg.gather [hbm4b:s3+s2], $0x80, v3, vm0, $0xb8;
	[tilespmem:$0x18100] =	vst v63  }
0x136: {  	v3 =	vld [tilespmem:$0x80];
	_ =	sdelay $0x4  }
0x137: {  	v24 =	vshll.u32 v3, $0x1  }
0x138: {  	v3 =	vand.u32 $0x7, v3;
	v4 =	vand.u32 $0xFFFFFFF0, v24  }
0x139: {  	v3 =	vor.u32 v3, v4  }
0x13a: {  	v4 =	vperm.xlane v3, v0;
	_ =	sdelay $0x1  }
0x13b: {  	v3 =	vperm.xlane v3, v2;
	v4 =	vadd.s32 v1, v4;
	_ =	sdelay $0x1  }
0x13c: {  	v3 =	vadd.s32 v1, v3;
	_ =	sdelay $0x1  }
0x13d: {  	s1 =	simm.s32 $0x8100  }
0x13e: {  	[tilespmem:s1], [sflag:$0x1] =	stream.indirect_vreg.gather [hbm4b:s3+s2], $0x80, v4, vm0, $0xb8;
	[tilespmem:$0x18100] =	vst v63  }
0x13f: {  	s10 =	simm.s32 $0x8900  }
0x140: {  	[tilespmem:s10], [sflag:$0x1] =	stream.indirect_vreg.gather [hbm4b:s3+s2], $0x80, v3, vm0, $0xb8;
	[tilespmem:$0x18100] =	vst v63  }
0x141: {  	v3 =	vld [tilespmem:$0x90];
	_ =	sdelay $0x4  }
0x142: {  	v25 =	vshll.u32 v3, $0x1  }
0x143: {  	v3 =	vand.u32 $0x7, v3;
	v4 =	vand.u32 $0xFFFFFFF0, v25  }
0x144: {  	v3 =	vor.u32 v3, v4  }
0x145: {  	v4 =	vperm.xlane v3, v0;
	_ =	sdelay $0x1  }
0x146: {  	v3 =	vperm.xlane v3, v2;
	v4 =	vadd.s32 v1, v4;
	_ =	sdelay $0x1  }
0x147: {  	v3 =	vadd.s32 v1, v3;
	_ =	sdelay $0x1  }
0x148: {  	s4 =	simm.s32 $0x9100  }
0x149: {  	[tilespmem:s4], [sflag:$0x1] =	stream.indirect_vreg.gather [hbm4b:s3+s2], $0x80, v4, vm0, $0xb8;
	[tilespmem:$0x18100] =	vst v63  }
0x14a: {  	s11 =	simm.s32 $0x9900  }
0x14b: {  	[tilespmem:s11], [sflag:$0x1] =	stream.indirect_vreg.gather [hbm4b:s3+s2], $0x80, v3, vm0, $0xb8;
	[tilespmem:$0x18100] =	vst v63  }
0x14c: {  	v3 =	vld [tilespmem:$0xA0];
	_ =	sdelay $0x4  }
0x14d: {  	v26 =	vshll.u32 v3, $0x1  }
0x14e: {  	v3 =	vand.u32 $0x7, v3;
	v4 =	vand.u32 $0xFFFFFFF0, v26  }
0x14f: {  	v3 =	vor.u32 v3, v4  }
0x150: {  	v4 =	vperm.xlane v3, v0;
	_ =	sdelay $0x1  }
0x151: {  	v3 =	vperm.xlane v3, v2;
	v4 =	vadd.s32 v1, v4;
	_ =	sdelay $0x1  }
0x152: {  	v3 =	vadd.s32 v1, v3;
	_ =	sdelay $0x1  }
0x153: {  	s8 =	simm.s32 $0xA100  }
0x154: {  	[tilespmem:s8], [sflag:$0x1] =	stream.indirect_vreg.gather [hbm4b:s3+s2], $0x80, v4, vm0, $0xb8;
	[tilespmem:$0x18100] =	vst v63  }
0x155: {  	s22 =	simm.s32 $0xA900  }
0x156: {  	[tilespmem:s22], [sflag:$0x1] =	stream.indirect_vreg.gather [hbm4b:s3+s2], $0x80, v3, vm0, $0xb8;
	[tilespmem:$0x18100] =	vst v63  }
0x157: {  	v3 =	vld [tilespmem:$0xB0];
	_ =	sdelay $0x4  }
0x158: {  	v27 =	vshll.u32 v3, $0x1  }
0x159: {  	v3 =	vand.u32 $0x7, v3;
	v4 =	vand.u32 $0xFFFFFFF0, v27  }
0x15a: {  	v3 =	vor.u32 v3, v4  }
0x15b: {  	v4 =	vperm.xlane v3, v0;
	_ =	sdelay $0x1  }
0x15c: {  	v3 =	vperm.xlane v3, v2;
	v4 =	vadd.s32 v1, v4;
	_ =	sdelay $0x1  }
0x15d: {  	v3 =	vadd.s32 v1, v3;
	_ =	sdelay $0x1  }
0x15e: {  	s31 =	simm.s32 $0xB100  }
0x15f: {  	[tilespmem:s31], [sflag:$0x1] =	stream.indirect_vreg.gather [hbm4b:s3+s2], $0x80, v4, vm0, $0xb8;
	[tilespmem:$0x18100] =	vst v63  }
0x160: {  	s19 =	simm.s32 $0xB900  }
0x161: {  	[tilespmem:s19], [sflag:$0x1] =	stream.indirect_vreg.gather [hbm4b:s3+s2], $0x80, v3, vm0, $0xb8;
	[tilespmem:$0x18100] =	vst v63  }
0x162: {  	v3 =	vld [tilespmem:$0xC0];
	_ =	sdelay $0x4  }
0x163: {  	v28 =	vshll.u32 v3, $0x1  }
0x164: {  	v3 =	vand.u32 $0x7, v3;
	v4 =	vand.u32 $0xFFFFFFF0, v28  }
0x165: {  	v3 =	vor.u32 v3, v4  }
0x166: {  	v4 =	vperm.xlane v3, v0;
	_ =	sdelay $0x1  }
0x167: {  	v3 =	vperm.xlane v3, v2;
	v4 =	vadd.s32 v1, v4;
	_ =	sdelay $0x1  }
0x168: {  	v3 =	vadd.s32 v1, v3;
	_ =	sdelay $0x1  }
0x169: {  	s19 =	simm.s32 $0xC100  }
0x16a: {  	[tilespmem:s19], [sflag:$0x1] =	stream.indirect_vreg.gather [hbm4b:s3+s2], $0x80, v4, vm0, $0xb8;
	[tilespmem:$0x18100] =	vst v63  }
0x16b: {  	s20 =	simm.s32 $0xC900  }
0x16c: {  	[tilespmem:s20], [sflag:$0x1] =	stream.indirect_vreg.gather [hbm4b:s3+s2], $0x80, v3, vm0, $0xb8;
	[tilespmem:$0x18100] =	vst v63  }
0x16d: {  	v3 =	vld [tilespmem:$0xD0];
	_ =	sdelay $0x4  }
0x16e: {  	v29 =	vshll.u32 v3, $0x1  }
0x16f: {  	v3 =	vand.u32 $0x7, v3;
	v4 =	vand.u32 $0xFFFFFFF0, v29  }
0x170: {  	v3 =	vor.u32 v3, v4  }
0x171: {  	v4 =	vperm.xlane v3, v0;
	_ =	sdelay $0x1  }
0x172: {  	v3 =	vperm.xlane v3, v2;
	v4 =	vadd.s32 v1, v4;
	_ =	sdelay $0x1  }
0x173: {  	v3 =	vadd.s32 v1, v3;
	_ =	sdelay $0x1  }
0x174: {  	s20 =	simm.s32 $0xD100  }
0x175: {  	[tilespmem:s20], [sflag:$0x1] =	stream.indirect_vreg.gather [hbm4b:s3+s2], $0x80, v4, vm0, $0xb8;
	[tilespmem:$0x18100] =	vst v63  }
0x176: {  	s21 =	simm.s32 $0xD900  }
0x177: {  	[tilespmem:s21], [sflag:$0x1] =	stream.indirect_vreg.gather [hbm4b:s3+s2], $0x80, v3, vm0, $0xb8;
	[tilespmem:$0x18100] =	vst v63  }
0x178: {  	v3 =	vld [tilespmem:$0xE0];
	_ =	sdelay $0x4  }
0x179: {  	v30 =	vshll.u32 v3, $0x1  }
0x17a: {  	v3 =	vand.u32 $0x7, v3;
	v4 =	vand.u32 $0xFFFFFFF0, v30  }
0x17b: {  	v3 =	vor.u32 v3, v4  }
0x17c: {  	v4 =	vperm.xlane v3, v0;
	_ =	sdelay $0x1  }
0x17d: {  	v3 =	vperm.xlane v3, v2;
	v4 =	vadd.s32 v1, v4;
	_ =	sdelay $0x1  }
0x17e: {  	v3 =	vadd.s32 v1, v3;
	_ =	sdelay $0x1  }
0x17f: {  	s21 =	simm.s32 $0xE100  }
0x180: {  	[tilespmem:s21], [sflag:$0x1] =	stream.indirect_vreg.gather [hbm4b:s3+s2], $0x80, v4, vm0, $0xb8;
	[tilespmem:$0x18100] =	vst v63  }
0x181: {  	s23 =	simm.s32 $0xE900  }
0x182: {  	[tilespmem:s23], [sflag:$0x1] =	stream.indirect_vreg.gather [hbm4b:s3+s2], $0x80, v3, vm0, $0xb8;
	[tilespmem:$0x18100] =	vst v63  }
0x183: {  	v3 =	vld [tilespmem:$0xF0];
	_ =	sdelay $0x4  }
0x184: {  	v31 =	vshll.u32 v3, $0x1  }
0x185: {  	v3 =	vand.u32 $0x7, v3;
	v4 =	vand.u32 $0xFFFFFFF0, v31  }
0x186: {  	v3 =	vor.u32 v3, v4  }
0x187: {  	v4 =	vperm.xlane v3, v0;
	_ =	sdelay $0x1  }
0x188: {  	v3 =	vperm.xlane v3, v2;
	v4 =	vadd.s32 v1, v4;
	_ =	sdelay $0x1  }
0x189: {  	v3 =	vadd.s32 v1, v3;
	_ =	sdelay $0x1  }
0x18a: {  	s23 =	simm.s32 $0xF100  }
0x18b: {  	[tilespmem:s23], [sflag:$0x1] =	stream.indirect_vreg.gather [hbm4b:s3+s2], $0x80, v4, vm0, $0xb8;
	[tilespmem:$0x18100] =	vst v63  }
0x18c: {  	s18 =	simm.s32 $0xF900  }
0x18d: {  	[tilespmem:s18], [sflag:$0x1] =	stream.indirect_vreg.gather [hbm4b:s3+s2], $0x80, v3, vm0, $0xb8;
	[tilespmem:$0x18100] =	vst v63  }
0x18e: {  	_ = 	snop  }
0x18f: {  	[tilespmem:s14], [sflag:$0x2] =	stream.indirect.gather [hbm4b:s28+s7], $0x80, s2, s7, $0xb8;
	[tilespmem:$0x18100] =	vst v63  }
0x190: {  	_ =	swait.ge [sflag:s15], $0x10000  }
0x191: {  	[sflag:s15] =	ssyncset.done $0x0  }
0x192: {  	s18 =	rddreg [dreg:$0x8];
	[sflag:s15] =	ssyncadd.s32 $0xFFFF0000  }
0x193: {  	[hbm4b:s18+s2] =	stream.linear.scatter [tilespmem:s7], [sflag:$0x3], $0x10000, $0x38;
	[tilespmem:$0x18100] =	vst v63  }
0x194: {  	_ =	swait.ge [sflag:s6], $0x10000  }
0x195: {  	[sflag:s6] =	ssyncset.done $0x0  }
0x196: {  	[sflag:s6] =	ssyncadd.s32 $0xFFFF0000  }
0x197: {  	_ =	swait.ge [sflag:s16], $0x8000  }
0x198: {  	[sflag:s16] =	ssyncset.done $0x0  }
0x199: {  	s18 =	rddreg [dreg:$0x9];
	[sflag:s16] =	ssyncadd.s32 $0xFFFF8000  }
0x19a: {  	[hbm4b:s18+s2] =	stream.linear.scatter [tilespmem:s14], [sflag:$0x3], $0x8000, $0x38;
	[tilespmem:$0x18100] =	vst v63  }
0x19b: {  	_ =	swait.ge [sflag:s6], $0x8000  }
0x19c: {  	[sflag:s6] =	ssyncset.done $0x0  }
0x19d: {  	s18 =	rddreg [dreg:$0xa];
	[sflag:s6] =	ssyncadd.s32 $0xFFFF8000  }
0x19e: {  	[tilespmem:s2], [sflag:$0x3] =	stream.linear.gather [hbm4b:s18+s2], $0x100, $0x38;
	[tilespmem:$0x18100] =	vst v63  }
0x19f: {  	_ =	swait.ge [sflag:s6], $0x100  }
0x1a0: {  	[sflag:s6] =	ssyncset.done $0x0  }
0x1a1: {  	[sflag:s6] =	ssyncadd.s32 $0xFFFFFF00  }
0x1a2: {  	v3 =	vld [tilespmem:$0x0];
	_ =	sdelay $0x4  }
0x1a3: {  	v32 =	vshll.u32 v3, $0x1  }
0x1a4: {  	v3 =	vand.u32 $0x7, v3;
	v4 =	vand.u32 $0xFFFFFFF0, v32  }
0x1a5: {  	v3 =	vor.u32 v3, v4  }
0x1a6: {  	v4 =	vperm.xlane v3, v0;
	_ =	sdelay $0x1  }
0x1a7: {  	v3 =	vperm.xlane v3, v2;
	v4 =	vadd.s32 v1, v4;
	_ =	sdelay $0x1  }
0x1a8: {  	v3 =	vadd.s32 v1, v3;
	_ =	sdelay $0x2  }
0x1a9: {  	[tilespmem:s7], [sflag:$0x1] =	stream.indirect_vreg.gather [hbm4b:s3+s2], $0x80, v4, vm0, $0xb8;
	[tilespmem:$0x18100] =	vst v63  }
0x1aa: {  	s18 =	simm.s32 $0x900  }
0x1ab: {  	[tilespmem:s18], [sflag:$0x1] =	stream.indirect_vreg.gather [hbm4b:s3+s2], $0x80, v3, vm0, $0xb8;
	[tilespmem:$0x18100] =	vst v63  }
0x1ac: {  	v3 =	vld [tilespmem:$0x10];
	_ =	sdelay $0x4  }
0x1ad: {  	v33 =	vshll.u32 v3, $0x1  }
0x1ae: {  	v3 =	vand.u32 $0x7, v3;
	v4 =	vand.u32 $0xFFFFFFF0, v33  }
0x1af: {  	v3 =	vor.u32 v3, v4  }
0x1b0: {  	v4 =	vperm.xlane v3, v0;
	_ =	sdelay $0x1  }
0x1b1: {  	v3 =	vperm.xlane v3, v2;
	v4 =	vadd.s32 v1, v4;
	_ =	sdelay $0x1  }
0x1b2: {  	v3 =	vadd.s32 v1, v3;
	_ =	sdelay $0x1  }
0x1b3: {  	s25 =	simm.s32 $0x1100  }
0x1b4: {  	[tilespmem:s25], [sflag:$0x1] =	stream.indirect_vreg.gather [hbm4b:s3+s2], $0x80, v4, vm0, $0xb8;
	[tilespmem:$0x18100] =	vst v63  }
0x1b5: {  	_ = 	snop  }
0x1b6: {  	[tilespmem:s13], [sflag:$0x1] =	stream.indirect_vreg.gather [hbm4b:s3+s2], $0x80, v3, vm0, $0xb8;
	[tilespmem:$0x18100] =	vst v63  }
0x1b7: {  	v3 =	vld [tilespmem:$0x20];
	_ =	sdelay $0x4  }
0x1b8: {  	v34 =	vshll.u32 v3, $0x1  }
0x1b9: {  	v3 =	vand.u32 $0x7, v3;
	v4 =	vand.u32 $0xFFFFFFF0, v34  }
0x1ba: {  	v3 =	vor.u32 v3, v4  }
0x1bb: {  	v4 =	vperm.xlane v3, v0;
	_ =	sdelay $0x1  }
0x1bc: {  	v3 =	vperm.xlane v3, v2;
	v4 =	vadd.s32 v1, v4;
	_ =	sdelay $0x1  }
0x1bd: {  	v3 =	vadd.s32 v1, v3;
	_ =	sdelay $0x1  }
0x1be: {  	s18 =	simm.s32 $0x2100  }
0x1bf: {  	[tilespmem:s18], [sflag:$0x1] =	stream.indirect_vreg.gather [hbm4b:s3+s2], $0x80, v4, vm0, $0xb8;
	[tilespmem:$0x18100] =	vst v63  }
0x1c0: {  	_ = 	snop  }
0x1c1: {  	[tilespmem:s29], [sflag:$0x1] =	stream.indirect_vreg.gather [hbm4b:s3+s2], $0x80, v3, vm0, $0xb8;
	[tilespmem:$0x18100] =	vst v63  }
0x1c2: {  	v3 =	vld [tilespmem:$0x30];
	_ =	sdelay $0x4  }
0x1c3: {  	v35 =	vshll.u32 v3, $0x1  }
0x1c4: {  	v3 =	vand.u32 $0x7, v3;
	v4 =	vand.u32 $0xFFFFFFF0, v35  }
0x1c5: {  	v3 =	vor.u32 v3, v4  }
0x1c6: {  	v4 =	vperm.xlane v3, v0;
	_ =	sdelay $0x1  }
0x1c7: {  	v3 =	vperm.xlane v3, v2;
	v4 =	vadd.s32 v1, v4;
	_ =	sdelay $0x1  }
0x1c8: {  	v3 =	vadd.s32 v1, v3;
	_ =	sdelay $0x1  }
0x1c9: {  	s25 =	simm.s32 $0x3100  }
0x1ca: {  	[tilespmem:s25], [sflag:$0x1] =	stream.indirect_vreg.gather [hbm4b:s3+s2], $0x80, v4, vm0, $0xb8;
	[tilespmem:$0x18100] =	vst v63  }
0x1cb: {  	s29 =	simm.s32 $0x3900  }
0x1cc: {  	[tilespmem:s29], [sflag:$0x1] =	stream.indirect_vreg.gather [hbm4b:s3+s2], $0x80, v3, vm0, $0xb8;
	[tilespmem:$0x18100] =	vst v63  }
0x1cd: {  	v3 =	vld [tilespmem:$0x40];
	_ =	sdelay $0x4  }
0x1ce: {  	v36 =	vshll.u32 v3, $0x1  }
0x1cf: {  	v3 =	vand.u32 $0x7, v3;
	v4 =	vand.u32 $0xFFFFFFF0, v36  }
0x1d0: {  	v3 =	vor.u32 v3, v4  }
0x1d1: {  	v4 =	vperm.xlane v3, v0;
	_ =	sdelay $0x1  }
0x1d2: {  	v3 =	vperm.xlane v3, v2;
	v4 =	vadd.s32 v1, v4;
	_ =	sdelay $0x1  }
0x1d3: {  	v3 =	vadd.s32 v1, v3;
	_ =	sdelay $0x1  }
0x1d4: {  	s25 =	simm.s32 $0x4100  }
0x1d5: {  	[tilespmem:s25], [sflag:$0x1] =	stream.indirect_vreg.gather [hbm4b:s3+s2], $0x80, v4, vm0, $0xb8;
	[tilespmem:$0x18100] =	vst v63  }
0x1d6: {  	_ = 	snop  }
0x1d7: {  	[tilespmem:s30], [sflag:$0x1] =	stream.indirect_vreg.gather [hbm4b:s3+s2], $0x80, v3, vm0, $0xb8;
	[tilespmem:$0x18100] =	vst v63  }
0x1d8: {  	v3 =	vld [tilespmem:$0x50];
	_ =	sdelay $0x4  }
0x1d9: {  	v37 =	vshll.u32 v3, $0x1  }
0x1da: {  	v3 =	vand.u32 $0x7, v3;
	v4 =	vand.u32 $0xFFFFFFF0, v37  }
0x1db: {  	v3 =	vor.u32 v3, v4  }
0x1dc: {  	v4 =	vperm.xlane v3, v0;
	_ =	sdelay $0x1  }
0x1dd: {  	v3 =	vperm.xlane v3, v2;
	v4 =	vadd.s32 v1, v4;
	_ =	sdelay $0x1  }
0x1de: {  	v3 =	vadd.s32 v1, v3;
	_ =	sdelay $0x1  }
0x1df: {  	s29 =	simm.s32 $0x5100  }
0x1e0: {  	[tilespmem:s29], [sflag:$0x1] =	stream.indirect_vreg.gather [hbm4b:s3+s2], $0x80, v4, vm0, $0xb8;
	[tilespmem:$0x18100] =	vst v63  }
0x1e1: {  	_ = 	snop  }
0x1e2: {  	[tilespmem:s24], [sflag:$0x1] =	stream.indirect_vreg.gather [hbm4b:s3+s2], $0x80, v3, vm0, $0xb8;
	[tilespmem:$0x18100] =	vst v63  }
0x1e3: {  	v3 =	vld [tilespmem:$0x60];
	_ =	sdelay $0x4  }
0x1e4: {  	v38 =	vshll.u32 v3, $0x1  }
0x1e5: {  	v3 =	vand.u32 $0x7, v3;
	v4 =	vand.u32 $0xFFFFFFF0, v38  }
0x1e6: {  	v3 =	vor.u32 v3, v4  }
0x1e7: {  	v4 =	vperm.xlane v3, v0;
	_ =	sdelay $0x1  }
0x1e8: {  	v3 =	vperm.xlane v3, v2;
	v4 =	vadd.s32 v1, v4;
	_ =	sdelay $0x1  }
0x1e9: {  	v3 =	vadd.s32 v1, v3;
	_ =	sdelay $0x2  }
0x1ea: {  	[tilespmem:s12], [sflag:$0x1] =	stream.indirect_vreg.gather [hbm4b:s3+s2], $0x80, v4, vm0, $0xb8;
	[tilespmem:$0x18100] =	vst v63  }
0x1eb: {  	_ = 	snop  }
0x1ec: {  	[tilespmem:s26], [sflag:$0x1] =	stream.indirect_vreg.gather [hbm4b:s3+s2], $0x80, v3, vm0, $0xb8;
	[tilespmem:$0x18100] =	vst v63  }
0x1ed: {  	v3 =	vld [tilespmem:$0x70];
	_ =	sdelay $0x4  }
0x1ee: {  	v39 =	vshll.u32 v3, $0x1  }
0x1ef: {  	v3 =	vand.u32 $0x7, v3;
	v4 =	vand.u32 $0xFFFFFFF0, v39  }
0x1f0: {  	v3 =	vor.u32 v3, v4  }
0x1f1: {  	v4 =	vperm.xlane v3, v0;
	_ =	sdelay $0x1  }
0x1f2: {  	v3 =	vperm.xlane v3, v2;
	v4 =	vadd.s32 v1, v4;
	_ =	sdelay $0x1  }
0x1f3: {  	v3 =	vadd.s32 v1, v3;
	_ =	sdelay $0x2  }
0x1f4: {  	[tilespmem:s0], [sflag:$0x1] =	stream.indirect_vreg.gather [hbm4b:s3+s2], $0x80, v4, vm0, $0xb8;
	[tilespmem:$0x18100] =	vst v63  }
0x1f5: {  	_ = 	snop  }
0x1f6: {  	[tilespmem:s9], [sflag:$0x1] =	stream.indirect_vreg.gather [hbm4b:s3+s2], $0x80, v3, vm0, $0xb8;
	[tilespmem:$0x18100] =	vst v63  }
0x1f7: {  	v3 =	vld [tilespmem:$0x80];
	_ =	sdelay $0x4  }
0x1f8: {  	v40 =	vshll.u32 v3, $0x1  }
0x1f9: {  	v3 =	vand.u32 $0x7, v3;
	v4 =	vand.u32 $0xFFFFFFF0, v40  }
0x1fa: {  	v3 =	vor.u32 v3, v4  }
0x1fb: {  	v4 =	vperm.xlane v3, v0;
	_ =	sdelay $0x1  }
0x1fc: {  	v3 =	vperm.xlane v3, v2;
	v4 =	vadd.s32 v1, v4;
	_ =	sdelay $0x1  }
0x1fd: {  	v3 =	vadd.s32 v1, v3;
	_ =	sdelay $0x2  }
0x1fe: {  	[tilespmem:s1], [sflag:$0x1] =	stream.indirect_vreg.gather [hbm4b:s3+s2], $0x80, v4, vm0, $0xb8;
	[tilespmem:$0x18100] =	vst v63  }
0x1ff: {  	_ = 	snop  }
0x200: {  	[tilespmem:s10], [sflag:$0x1] =	stream.indirect_vreg.gather [hbm4b:s3+s2], $0x80, v3, vm0, $0xb8;
	[tilespmem:$0x18100] =	vst v63  }
0x201: {  	v3 =	vld [tilespmem:$0x90];
	_ =	sdelay $0x4  }
0x202: {  	v41 =	vshll.u32 v3, $0x1  }
0x203: {  	v3 =	vand.u32 $0x7, v3;
	v4 =	vand.u32 $0xFFFFFFF0, v41  }
0x204: {  	v3 =	vor.u32 v3, v4  }
0x205: {  	v4 =	vperm.xlane v3, v0;
	_ =	sdelay $0x1  }
0x206: {  	v3 =	vperm.xlane v3, v2;
	v4 =	vadd.s32 v1, v4;
	_ =	sdelay $0x1  }
0x207: {  	v3 =	vadd.s32 v1, v3;
	_ =	sdelay $0x2  }
0x208: {  	[tilespmem:s4], [sflag:$0x1] =	stream.indirect_vreg.gather [hbm4b:s3+s2], $0x80, v4, vm0, $0xb8;
	[tilespmem:$0x18100] =	vst v63  }
0x209: {  	_ = 	snop  }
0x20a: {  	[tilespmem:s11], [sflag:$0x1] =	stream.indirect_vreg.gather [hbm4b:s3+s2], $0x80, v3, vm0, $0xb8;
	[tilespmem:$0x18100] =	vst v63  }
0x20b: {  	v3 =	vld [tilespmem:$0xA0];
	_ =	sdelay $0x4  }
0x20c: {  	v42 =	vshll.u32 v3, $0x1  }
0x20d: {  	v3 =	vand.u32 $0x7, v3;
	v4 =	vand.u32 $0xFFFFFFF0, v42  }
0x20e: {  	v3 =	vor.u32 v3, v4  }
0x20f: {  	v4 =	vperm.xlane v3, v0;
	_ =	sdelay $0x1  }
0x210: {  	v3 =	vperm.xlane v3, v2;
	v4 =	vadd.s32 v1, v4;
	_ =	sdelay $0x1  }
0x211: {  	v3 =	vadd.s32 v1, v3;
	_ =	sdelay $0x2  }
0x212: {  	[tilespmem:s8], [sflag:$0x1] =	stream.indirect_vreg.gather [hbm4b:s3+s2], $0x80, v4, vm0, $0xb8;
	[tilespmem:$0x18100] =	vst v63  }
0x213: {  	s30 =	simm.s32 $0xA900  }
0x214: {  	[tilespmem:s30], [sflag:$0x1] =	stream.indirect_vreg.gather [hbm4b:s3+s2], $0x80, v3, vm0, $0xb8;
	[tilespmem:$0x18100] =	vst v63  }
0x215: {  	v3 =	vld [tilespmem:$0xB0];
	_ =	sdelay $0x4  }
0x216: {  	v43 =	vshll.u32 v3, $0x1  }
0x217: {  	v3 =	vand.u32 $0x7, v3;
	v4 =	vand.u32 $0xFFFFFFF0, v43  }
0x218: {  	v3 =	vor.u32 v3, v4  }
0x219: {  	v4 =	vperm.xlane v3, v0;
	_ =	sdelay $0x1  }
0x21a: {  	v3 =	vperm.xlane v3, v2;
	v4 =	vadd.s32 v1, v4;
	_ =	sdelay $0x1  }
0x21b: {  	v3 =	vadd.s32 v1, v3;
	_ =	sdelay $0x1  }
0x21c: {  	s22 =	simm.s32 $0xB100  }
0x21d: {  	[tilespmem:s22], [sflag:$0x1] =	stream.indirect_vreg.gather [hbm4b:s3+s2], $0x80, v4, vm0, $0xb8;
	[tilespmem:$0x18100] =	vst v63  }
0x21e: {  	s31 =	simm.s32 $0xB900  }
0x21f: {  	[tilespmem:s31], [sflag:$0x1] =	stream.indirect_vreg.gather [hbm4b:s3+s2], $0x80, v3, vm0, $0xb8;
	[tilespmem:$0x18100] =	vst v63  }
0x220: {  	v3 =	vld [tilespmem:$0xC0];
	_ =	sdelay $0x4  }
0x221: {  	v44 =	vshll.u32 v3, $0x1  }
0x222: {  	v3 =	vand.u32 $0x7, v3;
	v4 =	vand.u32 $0xFFFFFFF0, v44  }
0x223: {  	v3 =	vor.u32 v3, v4  }
0x224: {  	v4 =	vperm.xlane v3, v0;
	_ =	sdelay $0x1  }
0x225: {  	v3 =	vperm.xlane v3, v2;
	v4 =	vadd.s32 v1, v4;
	_ =	sdelay $0x1  }
0x226: {  	v3 =	vadd.s32 v1, v3;
	_ =	sdelay $0x1  }
0x227: {  	s19 =	simm.s32 $0xC100  }
0x228: {  	[tilespmem:s19], [sflag:$0x1] =	stream.indirect_vreg.gather [hbm4b:s3+s2], $0x80, v4, vm0, $0xb8;
	[tilespmem:$0x18100] =	vst v63  }
0x229: {  	s19 =	simm.s32 $0xC900  }
0x22a: {  	[tilespmem:s19], [sflag:$0x1] =	stream.indirect_vreg.gather [hbm4b:s3+s2], $0x80, v3, vm0, $0xb8;
	[tilespmem:$0x18100] =	vst v63  }
0x22b: {  	v3 =	vld [tilespmem:$0xD0];
	_ =	sdelay $0x4  }
0x22c: {  	v45 =	vshll.u32 v3, $0x1  }
0x22d: {  	v3 =	vand.u32 $0x7, v3;
	v4 =	vand.u32 $0xFFFFFFF0, v45  }
0x22e: {  	v3 =	vor.u32 v3, v4  }
0x22f: {  	v4 =	vperm.xlane v3, v0;
	_ =	sdelay $0x1  }
0x230: {  	v3 =	vperm.xlane v3, v2;
	v4 =	vadd.s32 v1, v4;
	_ =	sdelay $0x1  }
0x231: {  	v3 =	vadd.s32 v1, v3;
	_ =	sdelay $0x1  }
0x232: {  	s20 =	simm.s32 $0xD100  }
0x233: {  	[tilespmem:s20], [sflag:$0x1] =	stream.indirect_vreg.gather [hbm4b:s3+s2], $0x80, v4, vm0, $0xb8;
	[tilespmem:$0x18100] =	vst v63  }
0x234: {  	s20 =	simm.s32 $0xD900  }
0x235: {  	[tilespmem:s20], [sflag:$0x1] =	stream.indirect_vreg.gather [hbm4b:s3+s2], $0x80, v3, vm0, $0xb8;
	[tilespmem:$0x18100] =	vst v63  }
0x236: {  	v3 =	vld [tilespmem:$0xE0];
	_ =	sdelay $0x4  }
0x237: {  	v46 =	vshll.u32 v3, $0x1  }
0x238: {  	v3 =	vand.u32 $0x7, v3;
	v4 =	vand.u32 $0xFFFFFFF0, v46  }
0x239: {  	v3 =	vor.u32 v3, v4  }
0x23a: {  	v4 =	vperm.xlane v3, v0;
	_ =	sdelay $0x1  }
0x23b: {  	v3 =	vperm.xlane v3, v2;
	v4 =	vadd.s32 v1, v4;
	_ =	sdelay $0x1  }
0x23c: {  	v3 =	vadd.s32 v1, v3;
	_ =	sdelay $0x1  }
0x23d: {  	s21 =	simm.s32 $0xE100  }
0x23e: {  	[tilespmem:s21], [sflag:$0x1] =	stream.indirect_vreg.gather [hbm4b:s3+s2], $0x80, v4, vm0, $0xb8;
	[tilespmem:$0x18100] =	vst v63  }
0x23f: {  	s21 =	simm.s32 $0xE900  }
0x240: {  	[tilespmem:s21], [sflag:$0x1] =	stream.indirect_vreg.gather [hbm4b:s3+s2], $0x80, v3, vm0, $0xb8;
	[tilespmem:$0x18100] =	vst v63  }
0x241: {  	v3 =	vld [tilespmem:$0xF0];
	_ =	sdelay $0x4  }
0x242: {  	v47 =	vshll.u32 v3, $0x1  }
0x243: {  	v3 =	vand.u32 $0x7, v3;
	v4 =	vand.u32 $0xFFFFFFF0, v47  }
0x244: {  	v3 =	vor.u32 v3, v4  }
0x245: {  	v4 =	vperm.xlane v3, v0;
	_ =	sdelay $0x1  }
0x246: {  	v3 =	vperm.xlane v3, v2;
	v4 =	vadd.s32 v1, v4;
	_ =	sdelay $0x1  }
0x247: {  	v3 =	vadd.s32 v1, v3;
	_ =	sdelay $0x1  }
0x248: {  	s23 =	simm.s32 $0xF100  }
0x249: {  	[tilespmem:s23], [sflag:$0x1] =	stream.indirect_vreg.gather [hbm4b:s3+s2], $0x80, v4, vm0, $0xb8;
	[tilespmem:$0x18100] =	vst v63  }
0x24a: {  	s23 =	simm.s32 $0xF900  }
0x24b: {  	[tilespmem:s23], [sflag:$0x1] =	stream.indirect_vreg.gather [hbm4b:s3+s2], $0x80, v3, vm0, $0xb8;
	[tilespmem:$0x18100] =	vst v63  }
0x24c: {  	_ = 	snop  }
0x24d: {  	[tilespmem:s14], [sflag:$0x2] =	stream.indirect.gather [hbm4b:s28+s7], $0x80, s2, s7, $0xb8;
	[tilespmem:$0x18100] =	vst v63  }
0x24e: {  	_ =	swait.ge [sflag:s15], $0x10000  }
0x24f: {  	[sflag:s15] =	ssyncset.done $0x0  }
0x250: {  	s17 =	rddreg [dreg:$0xb];
	[sflag:s15] =	ssyncadd.s32 $0xFFFF0000  }
0x251: {  	[hbm4b:s17+s2] =	stream.linear.scatter [tilespmem:s7], [sflag:$0x3], $0x10000, $0x38;
	[tilespmem:$0x18100] =	vst v63  }
0x252: {  	_ =	swait.ge [sflag:s6], $0x10000  }
0x253: {  	[sflag:s6] =	ssyncset.done $0x0  }
0x254: {  	[sflag:s6] =	ssyncadd.s32 $0xFFFF0000  }
0x255: {  	_ =	swait.ge [sflag:s16], $0x8000  }
0x256: {  	[sflag:s16] =	ssyncset.done $0x0  }
0x257: {  	s17 =	rddreg [dreg:$0xc];
	[sflag:s16] =	ssyncadd.s32 $0xFFFF8000  }
0x258: {  	[hbm4b:s17+s2] =	stream.linear.scatter [tilespmem:s14], [sflag:$0x3], $0x8000, $0x38;
	[tilespmem:$0x18100] =	vst v63  }
0x259: {  	_ =	swait.ge [sflag:s6], $0x8000  }
0x25a: {  	[sflag:s6] =	ssyncset.done $0x0  }
0x25b: {  	s17 =	rddreg [dreg:$0xd];
	[sflag:s6] =	ssyncadd.s32 $0xFFFF8000  }
0x25c: {  	[tilespmem:s2], [sflag:$0x3] =	stream.linear.gather [hbm4b:s17+s2], $0x100, $0x38;
	[tilespmem:$0x18100] =	vst v63  }
0x25d: {  	_ =	swait.ge [sflag:s6], $0x100  }
0x25e: {  	[sflag:s6] =	ssyncset.done $0x0  }
0x25f: {  	[sflag:s6] =	ssyncadd.s32 $0xFFFFFF00  }
0x260: {  	v3 =	vld [tilespmem:$0x0];
	_ =	sdelay $0x4  }
0x261: {  	v48 =	vshll.u32 v3, $0x1  }
0x262: {  	v3 =	vand.u32 $0x7, v3;
	v4 =	vand.u32 $0xFFFFFFF0, v48  }
0x263: {  	v3 =	vor.u32 v3, v4  }
0x264: {  	v4 =	vperm.xlane v3, v0;
	_ =	sdelay $0x1  }
0x265: {  	v3 =	vperm.xlane v3, v2;
	v4 =	vadd.s32 v1, v4;
	_ =	sdelay $0x1  }
0x266: {  	v3 =	vadd.s32 v1, v3;
	_ =	sdelay $0x2  }
0x267: {  	[tilespmem:s7], [sflag:$0x1] =	stream.indirect_vreg.gather [hbm4b:s3+s2], $0x80, v4, vm0, $0xb8;
	[tilespmem:$0x18100] =	vst v63  }
0x268: {  	s17 =	simm.s32 $0x900  }
0x269: {  	[tilespmem:s17], [sflag:$0x1] =	stream.indirect_vreg.gather [hbm4b:s3+s2], $0x80, v3, vm0, $0xb8;
	[tilespmem:$0x18100] =	vst v63  }
0x26a: {  	v3 =	vld [tilespmem:$0x10];
	_ =	sdelay $0x4  }
0x26b: {  	v49 =	vshll.u32 v3, $0x1  }
0x26c: {  	v3 =	vand.u32 $0x7, v3;
	v4 =	vand.u32 $0xFFFFFFF0, v49  }
0x26d: {  	v3 =	vor.u32 v3, v4  }
0x26e: {  	v4 =	vperm.xlane v3, v0;
	_ =	sdelay $0x1  }
0x26f: {  	v3 =	vperm.xlane v3, v2;
	v4 =	vadd.s32 v1, v4;
	_ =	sdelay $0x1  }
0x270: {  	v3 =	vadd.s32 v1, v3;
	_ =	sdelay $0x1  }
0x271: {  	s17 =	simm.s32 $0x1100  }
0x272: {  	[tilespmem:s17], [sflag:$0x1] =	stream.indirect_vreg.gather [hbm4b:s3+s2], $0x80, v4, vm0, $0xb8;
	[tilespmem:$0x18100] =	vst v63  }
0x273: {  	s13 =	simm.s32 $0x1900  }
0x274: {  	[tilespmem:s13], [sflag:$0x1] =	stream.indirect_vreg.gather [hbm4b:s3+s2], $0x80, v3, vm0, $0xb8;
	[tilespmem:$0x18100] =	vst v63  }
0x275: {  	v3 =	vld [tilespmem:$0x20];
	_ =	sdelay $0x4  }
0x276: {  	v50 =	vshll.u32 v3, $0x1  }
0x277: {  	v3 =	vand.u32 $0x7, v3;
	v4 =	vand.u32 $0xFFFFFFF0, v50  }
0x278: {  	v3 =	vor.u32 v3, v4  }
0x279: {  	v4 =	vperm.xlane v3, v0;
	_ =	sdelay $0x1  }
0x27a: {  	v3 =	vperm.xlane v3, v2;
	v4 =	vadd.s32 v1, v4;
	_ =	sdelay $0x1  }
0x27b: {  	v3 =	vadd.s32 v1, v3;
	_ =	sdelay $0x1  }
0x27c: {  	s17 =	simm.s32 $0x2100  }
0x27d: {  	[tilespmem:s17], [sflag:$0x1] =	stream.indirect_vreg.gather [hbm4b:s3+s2], $0x80, v4, vm0, $0xb8;
	[tilespmem:$0x18100] =	vst v63  }
0x27e: {  	s18 =	simm.s32 $0x2900  }
0x27f: {  	[tilespmem:s18], [sflag:$0x1] =	stream.indirect_vreg.gather [hbm4b:s3+s2], $0x80, v3, vm0, $0xb8;
	[tilespmem:$0x18100] =	vst v63  }
0x280: {  	v3 =	vld [tilespmem:$0x30];
	_ =	sdelay $0x4  }
0x281: {  	v51 =	vshll.u32 v3, $0x1  }
0x282: {  	v3 =	vand.u32 $0x7, v3;
	v4 =	vand.u32 $0xFFFFFFF0, v51  }
0x283: {  	v3 =	vor.u32 v3, v4  }
0x284: {  	v4 =	vperm.xlane v3, v0;
	_ =	sdelay $0x1  }
0x285: {  	v3 =	vperm.xlane v3, v2;
	v4 =	vadd.s32 v1, v4;
	_ =	sdelay $0x1  }
0x286: {  	v3 =	vadd.s32 v1, v3;
	_ =	sdelay $0x1  }
0x287: {  	s17 =	simm.s32 $0x3100  }
0x288: {  	[tilespmem:s17], [sflag:$0x1] =	stream.indirect_vreg.gather [hbm4b:s3+s2], $0x80, v4, vm0, $0xb8;
	[tilespmem:$0x18100] =	vst v63  }
0x289: {  	s18 =	simm.s32 $0x3900  }
0x28a: {  	[tilespmem:s18], [sflag:$0x1] =	stream.indirect_vreg.gather [hbm4b:s3+s2], $0x80, v3, vm0, $0xb8;
	[tilespmem:$0x18100] =	vst v63  }
0x28b: {  	v3 =	vld [tilespmem:$0x40];
	_ =	sdelay $0x4  }
0x28c: {  	v52 =	vshll.u32 v3, $0x1  }
0x28d: {  	v3 =	vand.u32 $0x7, v3;
	v4 =	vand.u32 $0xFFFFFFF0, v52  }
0x28e: {  	v3 =	vor.u32 v3, v4  }
0x28f: {  	v4 =	vperm.xlane v3, v0;
	_ =	sdelay $0x1  }
0x290: {  	v3 =	vperm.xlane v3, v2;
	v4 =	vadd.s32 v1, v4;
	_ =	sdelay $0x1  }
0x291: {  	v3 =	vadd.s32 v1, v3;
	_ =	sdelay $0x1  }
0x292: {  	s17 =	simm.s32 $0x4100  }
0x293: {  	[tilespmem:s17], [sflag:$0x1] =	stream.indirect_vreg.gather [hbm4b:s3+s2], $0x80, v4, vm0, $0xb8;
	[tilespmem:$0x18100] =	vst v63  }
0x294: {  	s25 =	simm.s32 $0x4900  }
0x295: {  	[tilespmem:s25], [sflag:$0x1] =	stream.indirect_vreg.gather [hbm4b:s3+s2], $0x80, v3, vm0, $0xb8;
	[tilespmem:$0x18100] =	vst v63  }
0x296: {  	v3 =	vld [tilespmem:$0x50];
	_ =	sdelay $0x4  }
0x297: {  	v53 =	vshll.u32 v3, $0x1  }
0x298: {  	v3 =	vand.u32 $0x7, v3;
	v4 =	vand.u32 $0xFFFFFFF0, v53  }
0x299: {  	v3 =	vor.u32 v3, v4  }
0x29a: {  	v4 =	vperm.xlane v3, v0;
	_ =	sdelay $0x1  }
0x29b: {  	v3 =	vperm.xlane v3, v2;
	v4 =	vadd.s32 v1, v4;
	_ =	sdelay $0x1  }
0x29c: {  	v3 =	vadd.s32 v1, v3;
	_ =	sdelay $0x1  }
0x29d: {  	s18 =	simm.s32 $0x5100  }
0x29e: {  	[tilespmem:s18], [sflag:$0x1] =	stream.indirect_vreg.gather [hbm4b:s3+s2], $0x80, v4, vm0, $0xb8;
	[tilespmem:$0x18100] =	vst v63  }
0x29f: {  	s24 =	simm.s32 $0x5900  }
0x2a0: {  	[tilespmem:s24], [sflag:$0x1] =	stream.indirect_vreg.gather [hbm4b:s3+s2], $0x80, v3, vm0, $0xb8;
	[tilespmem:$0x18100] =	vst v63  }
0x2a1: {  	v3 =	vld [tilespmem:$0x60];
	_ =	sdelay $0x4  }
0x2a2: {  	v54 =	vshll.u32 v3, $0x1  }
0x2a3: {  	v3 =	vand.u32 $0x7, v3;
	v4 =	vand.u32 $0xFFFFFFF0, v54  }
0x2a4: {  	v3 =	vor.u32 v3, v4  }
0x2a5: {  	v4 =	vperm.xlane v3, v0;
	_ =	sdelay $0x1  }
0x2a6: {  	v3 =	vperm.xlane v3, v2;
	v4 =	vadd.s32 v1, v4;
	_ =	sdelay $0x1  }
0x2a7: {  	v3 =	vadd.s32 v1, v3;
	_ =	sdelay $0x1  }
0x2a8: {  	s12 =	simm.s32 $0x6100  }
0x2a9: {  	[tilespmem:s12], [sflag:$0x1] =	stream.indirect_vreg.gather [hbm4b:s3+s2], $0x80, v4, vm0, $0xb8;
	[tilespmem:$0x18100] =	vst v63  }
0x2aa: {  	s26 =	simm.s32 $0x6900  }
0x2ab: {  	[tilespmem:s26], [sflag:$0x1] =	stream.indirect_vreg.gather [hbm4b:s3+s2], $0x80, v3, vm0, $0xb8;
	[tilespmem:$0x18100] =	vst v63  }
0x2ac: {  	v3 =	vld [tilespmem:$0x70];
	_ =	sdelay $0x4  }
0x2ad: {  	v55 =	vshll.u32 v3, $0x1  }
0x2ae: {  	v3 =	vand.u32 $0x7, v3;
	v4 =	vand.u32 $0xFFFFFFF0, v55  }
0x2af: {  	v3 =	vor.u32 v3, v4  }
0x2b0: {  	v4 =	vperm.xlane v3, v0;
	_ =	sdelay $0x1  }
0x2b1: {  	v3 =	vperm.xlane v3, v2;
	v4 =	vadd.s32 v1, v4;
	_ =	sdelay $0x1  }
0x2b2: {  	v3 =	vadd.s32 v1, v3;
	_ =	sdelay $0x1  }
0x2b3: {  	s0 =	simm.s32 $0x7100  }
0x2b4: {  	[tilespmem:s0], [sflag:$0x1] =	stream.indirect_vreg.gather [hbm4b:s3+s2], $0x80, v4, vm0, $0xb8;
	[tilespmem:$0x18100] =	vst v63  }
0x2b5: {  	s9 =	simm.s32 $0x7900  }
0x2b6: {  	[tilespmem:s9], [sflag:$0x1] =	stream.indirect_vreg.gather [hbm4b:s3+s2], $0x80, v3, vm0, $0xb8;
	[tilespmem:$0x18100] =	vst v63  }
0x2b7: {  	v3 =	vld [tilespmem:$0x80];
	_ =	sdelay $0x4  }
0x2b8: {  	v56 =	vshll.u32 v3, $0x1  }
0x2b9: {  	v3 =	vand.u32 $0x7, v3;
	v4 =	vand.u32 $0xFFFFFFF0, v56  }
0x2ba: {  	v3 =	vor.u32 v3, v4  }
0x2bb: {  	v4 =	vperm.xlane v3, v0;
	_ =	sdelay $0x1  }
0x2bc: {  	v3 =	vperm.xlane v3, v2;
	v4 =	vadd.s32 v1, v4;
	_ =	sdelay $0x1  }
0x2bd: {  	v3 =	vadd.s32 v1, v3;
	_ =	sdelay $0x1  }
0x2be: {  	s1 =	simm.s32 $0x8100  }
0x2bf: {  	[tilespmem:s1], [sflag:$0x1] =	stream.indirect_vreg.gather [hbm4b:s3+s2], $0x80, v4, vm0, $0xb8;
	[tilespmem:$0x18100] =	vst v63  }
0x2c0: {  	s10 =	simm.s32 $0x8900  }
0x2c1: {  	[tilespmem:s10], [sflag:$0x1] =	stream.indirect_vreg.gather [hbm4b:s3+s2], $0x80, v3, vm0, $0xb8;
	[tilespmem:$0x18100] =	vst v63  }
0x2c2: {  	v3 =	vld [tilespmem:$0x90];
	_ =	sdelay $0x4  }
0x2c3: {  	v57 =	vshll.u32 v3, $0x1  }
0x2c4: {  	v3 =	vand.u32 $0x7, v3;
	v4 =	vand.u32 $0xFFFFFFF0, v57  }
0x2c5: {  	v3 =	vor.u32 v3, v4  }
0x2c6: {  	v4 =	vperm.xlane v3, v0;
	_ =	sdelay $0x1  }
0x2c7: {  	v3 =	vperm.xlane v3, v2;
	v4 =	vadd.s32 v1, v4;
	_ =	sdelay $0x1  }
0x2c8: {  	v3 =	vadd.s32 v1, v3;
	_ =	sdelay $0x1  }
0x2c9: {  	s4 =	simm.s32 $0x9100  }
0x2ca: {  	[tilespmem:s4], [sflag:$0x1] =	stream.indirect_vreg.gather [hbm4b:s3+s2], $0x80, v4, vm0, $0xb8;
	[tilespmem:$0x18100] =	vst v63  }
0x2cb: {  	s11 =	simm.s32 $0x9900  }
0x2cc: {  	[tilespmem:s11], [sflag:$0x1] =	stream.indirect_vreg.gather [hbm4b:s3+s2], $0x80, v3, vm0, $0xb8;
	[tilespmem:$0x18100] =	vst v63  }
0x2cd: {  	v3 =	vld [tilespmem:$0xA0];
	_ =	sdelay $0x4  }
0x2ce: {  	v58 =	vshll.u32 v3, $0x1  }
0x2cf: {  	v3 =	vand.u32 $0x7, v3;
	v4 =	vand.u32 $0xFFFFFFF0, v58  }
0x2d0: {  	v3 =	vor.u32 v3, v4  }
0x2d1: {  	v4 =	vperm.xlane v3, v0;
	_ =	sdelay $0x1  }
0x2d2: {  	v3 =	vperm.xlane v3, v2;
	v4 =	vadd.s32 v1, v4;
	_ =	sdelay $0x1  }
0x2d3: {  	v3 =	vadd.s32 v1, v3;
	_ =	sdelay $0x1  }
0x2d4: {  	s8 =	simm.s32 $0xA100  }
0x2d5: {  	[tilespmem:s8], [sflag:$0x1] =	stream.indirect_vreg.gather [hbm4b:s3+s2], $0x80, v4, vm0, $0xb8;
	[tilespmem:$0x18100] =	vst v63  }
0x2d6: {  	s25 =	simm.s32 $0xA900  }
0x2d7: {  	[tilespmem:s25], [sflag:$0x1] =	stream.indirect_vreg.gather [hbm4b:s3+s2], $0x80, v3, vm0, $0xb8;
	[tilespmem:$0x18100] =	vst v63  }
0x2d8: {  	v3 =	vld [tilespmem:$0xB0];
	_ =	sdelay $0x4  }
0x2d9: {  	v59 =	vshll.u32 v3, $0x1  }
0x2da: {  	v3 =	vand.u32 $0x7, v3;
	v4 =	vand.u32 $0xFFFFFFF0, v59  }
0x2db: {  	v3 =	vor.u32 v3, v4  }
0x2dc: {  	v4 =	vperm.xlane v3, v0;
	_ =	sdelay $0x1  }
0x2dd: {  	v3 =	vperm.xlane v3, v2;
	v4 =	vadd.s32 v1, v4;
	_ =	sdelay $0x1  }
0x2de: {  	v3 =	vadd.s32 v1, v3;
	_ =	sdelay $0x1  }
0x2df: {  	s29 =	simm.s32 $0xB100  }
0x2e0: {  	[tilespmem:s29], [sflag:$0x1] =	stream.indirect_vreg.gather [hbm4b:s3+s2], $0x80, v4, vm0, $0xb8;
	[tilespmem:$0x18100] =	vst v63  }
0x2e1: {  	s30 =	simm.s32 $0xB900  }
0x2e2: {  	[tilespmem:s30], [sflag:$0x1] =	stream.indirect_vreg.gather [hbm4b:s3+s2], $0x80, v3, vm0, $0xb8;
	[tilespmem:$0x18100] =	vst v63  }
0x2e3: {  	v3 =	vld [tilespmem:$0xC0];
	_ =	sdelay $0x4  }
0x2e4: {  	v60 =	vshll.u32 v3, $0x1  }
0x2e5: {  	v3 =	vand.u32 $0x7, v3;
	v4 =	vand.u32 $0xFFFFFFF0, v60  }
0x2e6: {  	v3 =	vor.u32 v3, v4  }
0x2e7: {  	v4 =	vperm.xlane v3, v0;
	_ =	sdelay $0x1  }
0x2e8: {  	v3 =	vperm.xlane v3, v2;
	v4 =	vadd.s32 v1, v4;
	_ =	sdelay $0x1  }
0x2e9: {  	v3 =	vadd.s32 v1, v3;
	_ =	sdelay $0x1  }
0x2ea: {  	s22 =	simm.s32 $0xC100  }
0x2eb: {  	[tilespmem:s22], [sflag:$0x1] =	stream.indirect_vreg.gather [hbm4b:s3+s2], $0x80, v4, vm0, $0xb8;
	[tilespmem:$0x18100] =	vst v63  }
0x2ec: {  	s31 =	simm.s32 $0xC900  }
0x2ed: {  	[tilespmem:s31], [sflag:$0x1] =	stream.indirect_vreg.gather [hbm4b:s3+s2], $0x80, v3, vm0, $0xb8;
	[tilespmem:$0x18100] =	vst v63  }
0x2ee: {  	v3 =	vld [tilespmem:$0xD0];
	_ =	sdelay $0x4  }
0x2ef: {  	v61 =	vshll.u32 v3, $0x1  }
0x2f0: {  	v3 =	vand.u32 $0x7, v3;
	v4 =	vand.u32 $0xFFFFFFF0, v61  }
0x2f1: {  	v3 =	vor.u32 v3, v4  }
0x2f2: {  	v4 =	vperm.xlane v3, v0;
	_ =	sdelay $0x1  }
0x2f3: {  	v3 =	vperm.xlane v3, v2;
	v4 =	vadd.s32 v1, v4;
	_ =	sdelay $0x1  }
0x2f4: {  	v3 =	vadd.s32 v1, v3;
	_ =	sdelay $0x1  }
0x2f5: {  	s19 =	simm.s32 $0xD100  }
0x2f6: {  	[tilespmem:s19], [sflag:$0x1] =	stream.indirect_vreg.gather [hbm4b:s3+s2], $0x80, v4, vm0, $0xb8;
	[tilespmem:$0x18100] =	vst v63  }
0x2f7: {  	s26 =	simm.s32 $0xD900  }
0x2f8: {  	[tilespmem:s26], [sflag:$0x1] =	stream.indirect_vreg.gather [hbm4b:s3+s2], $0x80, v3, vm0, $0xb8;
	[tilespmem:$0x18100] =	vst v63  }
0x2f9: {  	v3 =	vld [tilespmem:$0xE0];
	_ =	sdelay $0x4  }
0x2fa: {  	v62 =	vshll.u32 v3, $0x1  }
0x2fb: {  	v3 =	vand.u32 $0x7, v3;
	v4 =	vand.u32 $0xFFFFFFF0, v62  }
0x2fc: {  	v3 =	vor.u32 v3, v4  }
0x2fd: {  	v4 =	vperm.xlane v3, v0;
	_ =	sdelay $0x1  }
0x2fe: {  	v3 =	vperm.xlane v3, v2;
	v4 =	vadd.s32 v1, v4;
	_ =	sdelay $0x1  }
0x2ff: {  	v3 =	vadd.s32 v1, v3;
	_ =	sdelay $0x1  }
0x300: {  	s20 =	simm.s32 $0xE100  }
0x301: {  	[tilespmem:s20], [sflag:$0x1] =	stream.indirect_vreg.gather [hbm4b:s3+s2], $0x80, v4, vm0, $0xb8;
	[tilespmem:$0x18100] =	vst v63  }
0x302: {  	s29 =	simm.s32 $0xE900  }
0x303: {  	[tilespmem:s29], [sflag:$0x1] =	stream.indirect_vreg.gather [hbm4b:s3+s2], $0x80, v3, vm0, $0xb8;
	[tilespmem:$0x18100] =	vst v63  }
0x304: {  	v3 =	vld [tilespmem:$0xF0];
	_ =	sdelay $0x4  }
0x305: {  	v63 =	vshll.u32 v3, $0x1  }
0x306: {  	v3 =	vand.u32 $0x7, v3;
	v4 =	vand.u32 $0xFFFFFFF0, v63  }
0x307: {  	v3 =	vor.u32 v3, v4  }
0x308: {  	v4 =	vperm.xlane v3, v0;
	_ =	sdelay $0x1  }
0x309: {  	v3 =	vperm.xlane v3, v2;
	v4 =	vadd.s32 v1, v4;
	_ =	sdelay $0x1  }
0x30a: {  	v3 =	vadd.s32 v1, v3;
	_ =	sdelay $0x1  }
0x30b: {  	s21 =	simm.s32 $0xF100  }
0x30c: {  	[tilespmem:s21], [sflag:$0x1] =	stream.indirect_vreg.gather [hbm4b:s3+s2], $0x80, v4, vm0, $0xb8;
	[tilespmem:$0x18100] =	vst v63  }
0x30d: {  	s23 =	simm.s32 $0xF900  }
0x30e: {  	[tilespmem:s23], [sflag:$0x1] =	stream.indirect_vreg.gather [hbm4b:s3+s2], $0x80, v3, vm0, $0xb8;
	[tilespmem:$0x18100] =	vst v63  }
0x30f: {  	_ = 	snop  }
0x310: {  	[tilespmem:s14], [sflag:$0x2] =	stream.indirect.gather [hbm4b:s28+s7], $0x80, s2, s7, $0xb8;
	[tilespmem:$0x18100] =	vst v63  }
0x311: {  	_ =	swait.ge [sflag:s15], $0x10000  }
0x312: {  	[sflag:s15] =	ssyncset.done $0x0  }
0x313: {  	s30 =	rddreg [dreg:$0xe];
	[sflag:s15] =	ssyncadd.s32 $0xFFFF0000  }
0x314: {  	[hbm4b:s30+s2] =	stream.linear.scatter [tilespmem:s7], [sflag:$0x3], $0x10000, $0x38;
	[tilespmem:$0x18100] =	vst v63  }
0x315: {  	_ =	swait.ge [sflag:s6], $0x10000  }
0x316: {  	[sflag:s6] =	ssyncset.done $0x0  }
0x317: {  	[sflag:s6] =	ssyncadd.s32 $0xFFFF0000  }
0x318: {  	_ =	swait.ge [sflag:s16], $0x8000  }
0x319: {  	p0 =	sne.s32 s5, $0x1;
	[sflag:s16] =	ssyncset.done $0x0  }
.Ltmp0:
0x31a: {  	s31 =	rddreg [dreg:$0xf];
	[sflag:s16] =	ssyncadd.s32 $0xFFFF8000;
	(pc) =	sbr.rel @p0 .LBB2_1-.Ltmp0, $4  }
0x31b: {  	[hbm4b:s31+s2] =	stream.linear.scatter [tilespmem:s14], [sflag:$0x3], $0x8000, $0x38;
	[tilespmem:$0x18100] =	vst v63  }
0x31c: {  	_ =	swait.ge [sflag:s6], $0x8000  }
0x31d: {  	[sflag:s6] =	ssyncset.done $0x0  }
0x31e: {  	s5 =	sadd.s32 $0xFFFFFFFF, s5;
	[sflag:s6] =	ssyncadd.s32 $0xFFFF8000  }
0x31f: {  	_ =	sfence.sel $0x180000  }
0x320: {  	[bflag:$0x0] =	sbarrier.arrive $0xFFFF  }
0x321: {  	_ =	strace $0x90000047  }
0x322: {  	s0 =	stileid.u32;
	[bflag:$0x2] =	sbarrier.arrive $0xFFFF  }
0x323: {  	p0 =	sne.s32 s0, $0x0;
	s0 =	rddreg [dreg:$0x3]  }
0x324: {  	s0 =	sadd.s32 @!p0 $0x100000, s0  }
0x325: {  	[sflag:s0] =	ssyncadd.tile.s32 @!p0 $0x1;
	_ =	shalt  }
.Lfunc_end2:
_tile_overlayer_lowered:
.L_overlay_start_2:
0x326: {  	(tag) =	ssettag $0x2  }
0x327: {  	s0 =	rddreg [dreg:$0x0];
	s2 =	stileid.u32  }
0x328: {  	s1 =	rddreg [dreg:$0x1];
	p0 =	sne.s32 s2, $0x0  }
0x329: {  	s3 =	rddreg [dreg:$0x2];
	[bflag:$0x3] =	sbarrier.arrive $0xFFFF;
	s2 =	simm.s32 @!p0 $0x1C03  }
0x32a: {  	[timem:s3], [sflag:s2] =	dma.local @!p0 [hbm:s0], s1  }
0x32b: {  	s0 =	simm.s32 @!p0 $0x3  }
0x32c: {  	_ =	swait.ge @!p0 [sflag:s0], s1  }
0x32d: {  	s1 =	ssub.s32 @!p0 $0x0, s1;
	[sflag:s0] =	ssyncset.done @!p0 $0x0  }
0x32e: {  	[sflag:s0] =	ssyncadd.s32 @!p0 s1  }
0x32f: {  	[bflag:$0x3] =	sbarrier.arrive $0xFFFF  }
0x330: {  	_ =	shalt  }

</sc_bundles>
